<compile_context>
chip_gen: v7x
topology: tpu7x:2x2x1
jax: 0.10.2.dev20260603
libtpu: 0.0.44.dev20260713+nightly
codegen_flags: <defaults>
</compile_context>

<pallas_src>
import functools

import jax
import jax.numpy as jnp
from jax import lax
from jax.experimental import pallas as pl
from jax.experimental.pallas import tpu as pltpu
from jax.experimental.pallas import tpu_sc as plsc

_NC = 2
_NS = 16
_NW = _NC * _NS


@functools.partial(jax.jit, static_argnums=(2, 3, 4))
def _embed_gather(table, idx, b, s, d):
    n = b * s
    b_per_w = n // _NW
    sizes = [48, 48, 48, 48, 48, 16]
    assert sum(sizes) == b_per_w
    offs = [0]
    for c_sz in sizes:
        offs.append(offs[-1] + c_sz)
    n_ch = len(sizes)
    chunk = max(sizes)
    w_per_row = s // b_per_w
    nb = 3

    @functools.partial(
        pl.kernel,
        mesh=plsc.VectorSubcoreMesh(core_axis_name="c", subcore_axis_name="s"),
        out_type=jax.ShapeDtypeStruct((b, s, d), jnp.float32),
        scratch_types=(
            [pltpu.VMEM((b_per_w,), jnp.int32)]
            + [pltpu.VMEM((chunk, d), jnp.float32) for _ in range(nb)]
            + [pltpu.SemaphoreType.DMA for _ in range(2 * nb)]
        ),
    )
    def k(table_hbm, idx_hbm, out_hbm, idx_v, *rest):
        bufs = rest[:nb]
        gsems = rest[nb:2 * nb]
        wsems = rest[2 * nb:]
        wid = lax.axis_index("s") * _NC + lax.axis_index("c")
        row = wid // w_per_row
        col = (wid % w_per_row) * b_per_w
        pltpu.sync_copy(idx_hbm.at[row, pl.ds(col, b_per_w)], idx_v)

        gcop = [None] * n_ch
        wcop = [None] * n_ch
        for c in range(n_ch):
            bi = c % nb
            if c >= nb:
                wcop[c - nb].wait()
            gcop[c] = pltpu.async_copy(
                table_hbm.at[idx_v.at[pl.ds(offs[c], sizes[c])]],
                bufs[bi].at[pl.ds(0, sizes[c])],
                gsems[bi],
            )
            if c >= 1:
                gcop[c - 1].wait()
                wcop[c - 1] = pltpu.async_copy(
                    bufs[(c - 1) % nb].at[pl.ds(0, sizes[c - 1])],
                    out_hbm.at[row, pl.ds(col + offs[c - 1], sizes[c - 1])],
                    wsems[(c - 1) % nb],
                )
        gcop[n_ch - 1].wait()
        wcop[n_ch - 1] = pltpu.async_copy(
            bufs[(n_ch - 1) % nb].at[pl.ds(0, sizes[n_ch - 1])],
            out_hbm.at[row, pl.ds(col + offs[n_ch - 1], sizes[n_ch - 1])],
            wsems[(n_ch - 1) % nb],
        )
        for c in range(max(0, n_ch - nb), n_ch):
            wcop[c].wait()

    return k(table, idx)


def kernel(inputs, embed_table):
    b, s = inputs.shape
    v, d = embed_table.shape
    return _embed_gather(embed_table, inputs.astype(jnp.int32), b, s, d)

# --- scband reference (transcript-rebuilt; emitter-appended) ---
"""Pipeline reference for scband-tiny-profile-lm-19000935317630 (READ-ONLY COPY).

The authoritative reference and input builder live on the scoring server;
editing this copy changes nothing except your own understanding.
"""

import jax, jax.numpy as jnp
import numpy as np

VOCAB = 100000
DIM = 768
BATCH = 4
SEQ = 2048


def setup_inputs(seed: int = 0) -> dict:
    key = jax.random.key(seed)
    k_idx, k_emb = jax.random.split(key)
    inputs = jax.random.randint(k_idx, (BATCH, SEQ), 0, VOCAB, dtype=jnp.int64 if jax.config.jax_enable_x64 else jnp.int32)
    embed_table = jax.random.normal(k_emb, (VOCAB, DIM), dtype=jnp.float32) * 0.02
    return {"inputs": inputs, "embed_table": embed_table}


def reference(inputs, embed_table):
    # TinyProfileLM.encode: hidden = self.embed(inputs.long())
    hidden = jnp.take(embed_table, inputs, axis=0)
    return hidden

if __name__ == "__main__":
    import jax
    _d = setup_inputs()
    print(jax.jit(kernel)(*tuple(_d.values())))

</pallas_src>

<mosaic_0001>
#map = affine_map<(d0, d1) -> (0, 0)>
#map1 = affine_map<(d0, d1) -> (0, 0, 0)>
module attributes {stable_mosaic.version = 14 : i64} {
  func.func @k(%arg0: i32, %arg1: i32, %arg2: memref<100000x768xf32, #tpu.memory_space<hbm>>, %arg3: memref<4x2048xi32, #tpu.memory_space<hbm>>, %arg4: memref<4x2048x768xf32, #tpu.memory_space<hbm>>, %arg5: memref<256xi32, #tpu.memory_space<vmem>>, %arg6: memref<48x768xf32, #tpu.memory_space<vmem>>, %arg7: memref<48x768xf32, #tpu.memory_space<vmem>>, %arg8: memref<48x768xf32, #tpu.memory_space<vmem>>, %arg9: memref<!tpu.dma_semaphore, #tpu.memory_space<semaphore_mem>>, %arg10: memref<!tpu.dma_semaphore, #tpu.memory_space<semaphore_mem>>, %arg11: memref<!tpu.dma_semaphore, #tpu.memory_space<semaphore_mem>>, %arg12: memref<!tpu.dma_semaphore, #tpu.memory_space<semaphore_mem>>, %arg13: memref<!tpu.dma_semaphore, #tpu.memory_space<semaphore_mem>>, %arg14: memref<!tpu.dma_semaphore, #tpu.memory_space<semaphore_mem>>) attributes {dimension_semantics = [#tpu.dimension_semantics<core_parallel>, #tpu.dimension_semantics<subcore_parallel>], iteration_bounds = array<i64: 2, 16>, scalar_prefetch = 0 : i64, scratch_operands = 10 : i64, tpu.core_type = #tpu.core_type<sc_vector_subcore>, window_params = [{transform_indices = #map}, {transform_indices = #map}, {transform_indices = #map1}]} {
    %mul3A = arith.constant 2 : i32
    %mul3A_0 = arith.muli %arg1, %mul3A : i32
    %add3A = arith.addi %mul3A_0, %arg0 : i32
    %jit3A = arith.constant 8 : i32
    %div3A = arith.divsi %add3A, %jit3A : i32
    %sign3A = arith.constant 0 : i32
    %sign3A_1 = arith.cmpi sgt, %add3A, %sign3A : i32
    %sign3A_2 = arith.extui %sign3A_1 : i1 to i32
    %sign3A_3 = arith.constant 0 : i32
    %sign3A_4 = arith.cmpi slt, %add3A, %sign3A_3 : i32
    %sign3A_5 = arith.extui %sign3A_4 : i1 to i32
    %sign3A_6 = arith.subi %sign3A_2, %sign3A_5 : i32
    %sign3A_7 = arith.constant 0 : i32
    %sign3A_8 = arith.cmpi sgt, %jit3A, %sign3A_7 : i32
    %sign3A_9 = arith.extui %sign3A_8 : i1 to i32
    %sign3A_10 = arith.constant 0 : i32
    %sign3A_11 = arith.cmpi slt, %jit3A, %sign3A_10 : i32
    %sign3A_12 = arith.extui %sign3A_11 : i1 to i32
    %sign3A_13 = arith.subi %sign3A_9, %sign3A_12 : i32
    %ne3A = arith.cmpi ne, %sign3A_6, %sign3A_13 : i32
    %rem3A = arith.remsi %add3A, %jit3A : i32
    %ne3A_14 = arith.constant 0 : i32
    %ne3A_15 = arith.cmpi ne, %rem3A, %ne3A_14 : i32
    %and3A = arith.andi %ne3A, %ne3A_15 : i1
    %sub3A = arith.constant 1 : i32
    %sub3A_16 = arith.subi %div3A, %sub3A : i32
    %select_n3A = arith.select %and3A, %sub3A_16, %div3A : i32
    %jit3A_17 = arith.constant 8 : i32
    %eq3A = arith.constant 0 : i32
    %eq3A_18 = arith.cmpi eq, %jit3A_17, %eq3A : i32
    %jit3A_19 = arith.constant 1 : i32
    %select_n3A_20 = arith.select %eq3A_18, %jit3A_19, %jit3A_17 : i32
    %rem3A_21 = arith.remsi %add3A, %select_n3A_20 : i32
    %ne3A_22 = arith.constant 0 : i32
    %ne3A_23 = arith.cmpi ne, %rem3A_21, %ne3A_22 : i32
    %lt3A = arith.constant 0 : i32
    %lt3A_24 = arith.cmpi slt, %rem3A_21, %lt3A : i32
    %lt3A_25 = arith.constant 0 : i32
    %lt3A_26 = arith.cmpi slt, %select_n3A_20, %lt3A_25 : i32
    %ne3A_27 = arith.xori %lt3A_24, %lt3A_26 : i1
    %and3A_28 = arith.andi %ne3A_27, %ne3A_23 : i1
    %add3A_29 = arith.addi %rem3A_21, %select_n3A_20 : i32
    %select_n3A_30 = arith.select %and3A_28, %add3A_29, %rem3A_21 : i32
    %mul3A_31 = arith.constant 256 : i32
    %mul3A_32 = arith.muli %select_n3A_30, %mul3A_31 : i32
    "tpu.region"() ({
      %run_scoped3A = tpu.sem_alloc : memref<!tpu.dma_semaphore, #tpu.memory_space<semaphore_mem>>
      %dma_start3A_283 = tpu.memref_slice %arg3[%select_n3A, %mul3A_32] : memref<4x2048xi32, #tpu.memory_space<hbm>> -> memref<1x256xi32, #tpu.memory_space<hbm>>
      %dma_start3A_284 = tpu.memref_squeeze %dma_start3A_283 : memref<1x256xi32, #tpu.memory_space<hbm>> -> memref<256xi32, #tpu.memory_space<hbm>>
      %dma_start3A_285 = tpu.memref_slice %arg3[%select_n3A, %mul3A_32] : memref<4x2048xi32, #tpu.memory_space<hbm>> -> memref<1x256xi32, #tpu.memory_space<hbm>>
      %dma_start3A_286 = tpu.memref_squeeze %dma_start3A_285 : memref<1x256xi32, #tpu.memory_space<hbm>> -> memref<256xi32, #tpu.memory_space<hbm>>
      tpu.enqueue_dma source(%dma_start3A_286 : memref<256xi32, #tpu.memory_space<hbm>>) target(%arg5 : memref<256xi32, #tpu.memory_space<vmem>>) target_semaphore(%run_scoped3A : memref<!tpu.dma_semaphore, #tpu.memory_space<semaphore_mem>>)
      %dma_wait3A_287 = tpu.memref_slice %arg3[%select_n3A, %mul3A_32] : memref<4x2048xi32, #tpu.memory_space<hbm>> -> memref<1x256xi32, #tpu.memory_space<hbm>>
      %dma_wait3A_288 = tpu.memref_squeeze %dma_wait3A_287 : memref<1x256xi32, #tpu.memory_space<hbm>> -> memref<256xi32, #tpu.memory_space<hbm>>
      %dma_wait3A_289 = tpu.memref_slice %arg3[%select_n3A, %mul3A_32] : memref<4x2048xi32, #tpu.memory_space<hbm>> -> memref<1x256xi32, #tpu.memory_space<hbm>>
      %dma_wait3A_290 = tpu.memref_squeeze %dma_wait3A_289 : memref<1x256xi32, #tpu.memory_space<hbm>> -> memref<256xi32, #tpu.memory_space<hbm>>
      tpu.wait_dma2 semaphore(%run_scoped3A : memref<!tpu.dma_semaphore, #tpu.memory_space<semaphore_mem>>) src(%dma_wait3A_290 : memref<256xi32, #tpu.memory_space<hbm>>) dst(%arg5 : memref<256xi32, #tpu.memory_space<vmem>>)
      tpu.yield
    }) : () -> ()
    %dma_start3A = arith.constant 0 : i32
    %dma_start3A_33 = arith.constant 0 : i32
    %dma_start3A_34 = tpu.memref_slice %arg6[%dma_start3A, %dma_start3A_33] : memref<48x768xf32, #tpu.memory_space<vmem>> -> memref<48x768xf32, #tpu.memory_space<vmem>>
    %dma_start3A_35 = arith.constant 0 : i32
    %dma_start3A_36 = tpu.memref_slice %arg5[%dma_start3A_35] : memref<256xi32, #tpu.memory_space<vmem>> -> memref<48xi32, #tpu.memory_space<vmem>>
    %dma_start3A_37 = arith.constant 0 : i32
    %dma_start3A_38 = arith.constant 0 : i32
    %dma_start3A_39 = tpu.memref_slice %arg2[%dma_start3A_37, %dma_start3A_38] : memref<100000x768xf32, #tpu.memory_space<hbm>> -> memref<100000x768xf32, #tpu.memory_space<hbm>>
    tpu.enqueue_indirect_dma source(%dma_start3A_39 : memref<100000x768xf32, #tpu.memory_space<hbm>>) target(%dma_start3A_34 : memref<48x768xf32, #tpu.memory_space<vmem>>) offsets(%dma_start3A_36 : memref<48xi32, #tpu.memory_space<vmem>>) semaphore(%arg9 : memref<!tpu.dma_semaphore, #tpu.memory_space<semaphore_mem>>)
    %dma_start3A_40 = arith.constant 0 : i32
    %dma_start3A_41 = arith.constant 0 : i32
    %dma_start3A_42 = tpu.memref_slice %arg7[%dma_start3A_40, %dma_start3A_41] : memref<48x768xf32, #tpu.memory_space<vmem>> -> memref<48x768xf32, #tpu.memory_space<vmem>>
    %dma_start3A_43 = arith.constant 48 : i32
    %dma_start3A_44 = tpu.memref_slice %arg5[%dma_start3A_43] : memref<256xi32, #tpu.memory_space<vmem>> -> memref<48xi32, #tpu.memory_space<vmem>>
    %dma_start3A_45 = arith.constant 0 : i32
    %dma_start3A_46 = arith.constant 0 : i32
    %dma_start3A_47 = tpu.memref_slice %arg2[%dma_start3A_45, %dma_start3A_46] : memref<100000x768xf32, #tpu.memory_space<hbm>> -> memref<100000x768xf32, #tpu.memory_space<hbm>>
    tpu.enqueue_indirect_dma source(%dma_start3A_47 : memref<100000x768xf32, #tpu.memory_space<hbm>>) target(%dma_start3A_42 : memref<48x768xf32, #tpu.memory_space<vmem>>) offsets(%dma_start3A_44 : memref<48xi32, #tpu.memory_space<vmem>>) semaphore(%arg10 : memref<!tpu.dma_semaphore, #tpu.memory_space<semaphore_mem>>)
    %dma_wait3A = arith.constant 0 : i32
    %dma_wait3A_48 = arith.constant 0 : i32
    %dma_wait3A_49 = tpu.memref_slice %arg6[%dma_wait3A, %dma_wait3A_48] : memref<48x768xf32, #tpu.memory_space<vmem>> -> memref<48x768xf32, #tpu.memory_space<vmem>>
    %dma_wait3A_50 = arith.constant 0 : i32
    %dma_wait3A_51 = tpu.memref_slice %arg5[%dma_wait3A_50] : memref<256xi32, #tpu.memory_space<vmem>> -> memref<48xi32, #tpu.memory_space<vmem>>
    %dma_wait3A_52 = arith.constant 0 : i32
    %dma_wait3A_53 = arith.constant 0 : i32
    %dma_wait3A_54 = tpu.memref_slice %arg2[%dma_wait3A_52, %dma_wait3A_53] : memref<100000x768xf32, #tpu.memory_space<hbm>> -> memref<100000x768xf32, #tpu.memory_space<hbm>>
    tpu.wait_indirect_dma semaphore(%arg9 : memref<!tpu.dma_semaphore, #tpu.memory_space<semaphore_mem>>) src(%dma_wait3A_54 : memref<100000x768xf32, #tpu.memory_space<hbm>>) dst(%dma_wait3A_49 : memref<48x768xf32, #tpu.memory_space<vmem>>)
    %add3A_55 = arith.constant 0 : i32
    %add3A_56 = arith.addi %mul3A_32, %add3A_55 : i32
    %dma_start3A_57 = arith.constant 0 : i32
    %dma_start3A_58 = arith.constant 0 : i32
    %dma_start3A_59 = tpu.memref_slice %arg6[%dma_start3A_57, %dma_start3A_58] : memref<48x768xf32, #tpu.memory_space<vmem>> -> memref<48x768xf32, #tpu.memory_space<vmem>>
    %dma_start3A_60 = arith.constant 0 : i32
    %dma_start3A_61 = tpu.memref_slice %arg4[%select_n3A, %add3A_56, %dma_start3A_60] : memref<4x2048x768xf32, #tpu.memory_space<hbm>> -> memref<1x48x768xf32, #tpu.memory_space<hbm>>
    %dma_start3A_62 = tpu.memref_squeeze %dma_start3A_61 : memref<1x48x768xf32, #tpu.memory_space<hbm>> -> memref<48x768xf32, #tpu.memory_space<hbm>>
    %dma_start3A_63 = arith.constant 0 : i32
    %dma_start3A_64 = tpu.memref_slice %arg4[%select_n3A, %add3A_56, %dma_start3A_63] : memref<4x2048x768xf32, #tpu.memory_space<hbm>> -> memref<1x48x768xf32, #tpu.memory_space<hbm>>
    %dma_start3A_65 = tpu.memref_squeeze %dma_start3A_64 : memref<1x48x768xf32, #tpu.memory_space<hbm>> -> memref<48x768xf32, #tpu.memory_space<hbm>>
    %dma_start3A_66 = arith.constant 0 : i32
    %dma_start3A_67 = arith.constant 0 : i32
    %dma_start3A_68 = tpu.memref_slice %arg6[%dma_start3A_66, %dma_start3A_67] : memref<48x768xf32, #tpu.memory_space<vmem>> -> memref<48x768xf32, #tpu.memory_space<vmem>>
    tpu.enqueue_dma source(%dma_start3A_68 : memref<48x768xf32, #tpu.memory_space<vmem>>) target(%dma_start3A_65 : memref<48x768xf32, #tpu.memory_space<hbm>>) target_semaphore(%arg12 : memref<!tpu.dma_semaphore, #tpu.memory_space<semaphore_mem>>)
    %dma_start3A_69 = arith.constant 0 : i32
    %dma_start3A_70 = arith.constant 0 : i32
    %dma_start3A_71 = tpu.memref_slice %arg8[%dma_start3A_69, %dma_start3A_70] : memref<48x768xf32, #tpu.memory_space<vmem>> -> memref<48x768xf32, #tpu.memory_space<vmem>>
    %dma_start3A_72 = arith.constant 96 : i32
    %dma_start3A_73 = tpu.memref_slice %arg5[%dma_start3A_72] : memref<256xi32, #tpu.memory_space<vmem>> -> memref<48xi32, #tpu.memory_space<vmem>>
    %dma_start3A_74 = arith.constant 0 : i32
    %dma_start3A_75 = arith.constant 0 : i32
    %dma_start3A_76 = tpu.memref_slice %arg2[%dma_start3A_74, %dma_start3A_75] : memref<100000x768xf32, #tpu.memory_space<hbm>> -> memref<100000x768xf32, #tpu.memory_space<hbm>>
    tpu.enqueue_indirect_dma source(%dma_start3A_76 : memref<100000x768xf32, #tpu.memory_space<hbm>>) target(%dma_start3A_71 : memref<48x768xf32, #tpu.memory_space<vmem>>) offsets(%dma_start3A_73 : memref<48xi32, #tpu.memory_space<vmem>>) semaphore(%arg11 : memref<!tpu.dma_semaphore, #tpu.memory_space<semaphore_mem>>)
    %dma_wait3A_77 = arith.constant 0 : i32
    %dma_wait3A_78 = arith.constant 0 : i32
    %dma_wait3A_79 = tpu.memref_slice %arg7[%dma_wait3A_77, %dma_wait3A_78] : memref<48x768xf32, #tpu.memory_space<vmem>> -> memref<48x768xf32, #tpu.memory_space<vmem>>
    %dma_wait3A_80 = arith.constant 48 : i32
    %dma_wait3A_81 = tpu.memref_slice %arg5[%dma_wait3A_80] : memref<256xi32, #tpu.memory_space<vmem>> -> memref<48xi32, #tpu.memory_space<vmem>>
    %dma_wait3A_82 = arith.constant 0 : i32
    %dma_wait3A_83 = arith.constant 0 : i32
    %dma_wait3A_84 = tpu.memref_slice %arg2[%dma_wait3A_82, %dma_wait3A_83] : memref<100000x768xf32, #tpu.memory_space<hbm>> -> memref<100000x768xf32, #tpu.memory_space<hbm>>
    tpu.wait_indirect_dma semaphore(%arg10 : memref<!tpu.dma_semaphore, #tpu.memory_space<semaphore_mem>>) src(%dma_wait3A_84 : memref<100000x768xf32, #tpu.memory_space<hbm>>) dst(%dma_wait3A_79 : memref<48x768xf32, #tpu.memory_space<vmem>>)
    %add3A_85 = arith.constant 48 : i32
    %add3A_86 = arith.addi %mul3A_32, %add3A_85 : i32
    %dma_start3A_87 = arith.constant 0 : i32
    %dma_start3A_88 = arith.constant 0 : i32
    %dma_start3A_89 = tpu.memref_slice %arg7[%dma_start3A_87, %dma_start3A_88] : memref<48x768xf32, #tpu.memory_space<vmem>> -> memref<48x768xf32, #tpu.memory_space<vmem>>
    %dma_start3A_90 = arith.constant 0 : i32
    %dma_start3A_91 = tpu.memref_slice %arg4[%select_n3A, %add3A_86, %dma_start3A_90] : memref<4x2048x768xf32, #tpu.memory_space<hbm>> -> memref<1x48x768xf32, #tpu.memory_space<hbm>>
    %dma_start3A_92 = tpu.memref_squeeze %dma_start3A_91 : memref<1x48x768xf32, #tpu.memory_space<hbm>> -> memref<48x768xf32, #tpu.memory_space<hbm>>
    %dma_start3A_93 = arith.constant 0 : i32
    %dma_start3A_94 = tpu.memref_slice %arg4[%select_n3A, %add3A_86, %dma_start3A_93] : memref<4x2048x768xf32, #tpu.memory_space<hbm>> -> memref<1x48x768xf32, #tpu.memory_space<hbm>>
    %dma_start3A_95 = tpu.memref_squeeze %dma_start3A_94 : memref<1x48x768xf32, #tpu.memory_space<hbm>> -> memref<48x768xf32, #tpu.memory_space<hbm>>
    %dma_start3A_96 = arith.constant 0 : i32
    %dma_start3A_97 = arith.constant 0 : i32
    %dma_start3A_98 = tpu.memref_slice %arg7[%dma_start3A_96, %dma_start3A_97] : memref<48x768xf32, #tpu.memory_space<vmem>> -> memref<48x768xf32, #tpu.memory_space<vmem>>
    tpu.enqueue_dma source(%dma_start3A_98 : memref<48x768xf32, #tpu.memory_space<vmem>>) target(%dma_start3A_95 : memref<48x768xf32, #tpu.memory_space<hbm>>) target_semaphore(%arg13 : memref<!tpu.dma_semaphore, #tpu.memory_space<semaphore_mem>>)
    %dma_wait3A_99 = arith.constant 0 : i32
    %dma_wait3A_100 = arith.constant 0 : i32
    %dma_wait3A_101 = tpu.memref_slice %arg6[%dma_wait3A_99, %dma_wait3A_100] : memref<48x768xf32, #tpu.memory_space<vmem>> -> memref<48x768xf32, #tpu.memory_space<vmem>>
    %dma_wait3A_102 = arith.constant 0 : i32
    %dma_wait3A_103 = tpu.memref_slice %arg4[%select_n3A, %add3A_56, %dma_wait3A_102] : memref<4x2048x768xf32, #tpu.memory_space<hbm>> -> memref<1x48x768xf32, #tpu.memory_space<hbm>>
    %dma_wait3A_104 = tpu.memref_squeeze %dma_wait3A_103 : memref<1x48x768xf32, #tpu.memory_space<hbm>> -> memref<48x768xf32, #tpu.memory_space<hbm>>
    %dma_wait3A_105 = arith.constant 0 : i32
    %dma_wait3A_106 = tpu.memref_slice %arg4[%select_n3A, %add3A_56, %dma_wait3A_105] : memref<4x2048x768xf32, #tpu.memory_space<hbm>> -> memref<1x48x768xf32, #tpu.memory_space<hbm>>
    %dma_wait3A_107 = tpu.memref_squeeze %dma_wait3A_106 : memref<1x48x768xf32, #tpu.memory_space<hbm>> -> memref<48x768xf32, #tpu.memory_space<hbm>>
    %dma_wait3A_108 = arith.constant 0 : i32
    %dma_wait3A_109 = arith.constant 0 : i32
    %dma_wait3A_110 = tpu.memref_slice %arg6[%dma_wait3A_108, %dma_wait3A_109] : memref<48x768xf32, #tpu.memory_space<vmem>> -> memref<48x768xf32, #tpu.memory_space<vmem>>
    tpu.wait_dma2 semaphore(%arg12 : memref<!tpu.dma_semaphore, #tpu.memory_space<semaphore_mem>>) src(%dma_wait3A_110 : memref<48x768xf32, #tpu.memory_space<vmem>>) dst(%dma_wait3A_107 : memref<48x768xf32, #tpu.memory_space<hbm>>)
    %dma_start3A_111 = arith.constant 0 : i32
    %dma_start3A_112 = arith.constant 0 : i32
    %dma_start3A_113 = tpu.memref_slice %arg6[%dma_start3A_111, %dma_start3A_112] : memref<48x768xf32, #tpu.memory_space<vmem>> -> memref<48x768xf32, #tpu.memory_space<vmem>>
    %dma_start3A_114 = arith.constant 144 : i32
    %dma_start3A_115 = tpu.memref_slice %arg5[%dma_start3A_114] : memref<256xi32, #tpu.memory_space<vmem>> -> memref<48xi32, #tpu.memory_space<vmem>>
    %dma_start3A_116 = arith.constant 0 : i32
    %dma_start3A_117 = arith.constant 0 : i32
    %dma_start3A_118 = tpu.memref_slice %arg2[%dma_start3A_116, %dma_start3A_117] : memref<100000x768xf32, #tpu.memory_space<hbm>> -> memref<100000x768xf32, #tpu.memory_space<hbm>>
    tpu.enqueue_indirect_dma source(%dma_start3A_118 : memref<100000x768xf32, #tpu.memory_space<hbm>>) target(%dma_start3A_113 : memref<48x768xf32, #tpu.memory_space<vmem>>) offsets(%dma_start3A_115 : memref<48xi32, #tpu.memory_space<vmem>>) semaphore(%arg9 : memref<!tpu.dma_semaphore, #tpu.memory_space<semaphore_mem>>)
    %dma_wait3A_119 = arith.constant 0 : i32
    %dma_wait3A_120 = arith.constant 0 : i32
    %dma_wait3A_121 = tpu.memref_slice %arg8[%dma_wait3A_119, %dma_wait3A_120] : memref<48x768xf32, #tpu.memory_space<vmem>> -> memref<48x768xf32, #tpu.memory_space<vmem>>
    %dma_wait3A_122 = arith.constant 96 : i32
    %dma_wait3A_123 = tpu.memref_slice %arg5[%dma_wait3A_122] : memref<256xi32, #tpu.memory_space<vmem>> -> memref<48xi32, #tpu.memory_space<vmem>>
    %dma_wait3A_124 = arith.constant 0 : i32
    %dma_wait3A_125 = arith.constant 0 : i32
    %dma_wait3A_126 = tpu.memref_slice %arg2[%dma_wait3A_124, %dma_wait3A_125] : memref<100000x768xf32, #tpu.memory_space<hbm>> -> memref<100000x768xf32, #tpu.memory_space<hbm>>
    tpu.wait_indirect_dma semaphore(%arg11 : memref<!tpu.dma_semaphore, #tpu.memory_space<semaphore_mem>>) src(%dma_wait3A_126 : memref<100000x768xf32, #tpu.memory_space<hbm>>) dst(%dma_wait3A_121 : memref<48x768xf32, #tpu.memory_space<vmem>>)
    %add3A_127 = arith.constant 96 : i32
    %add3A_128 = arith.addi %mul3A_32, %add3A_127 : i32
    %dma_start3A_129 = arith.constant 0 : i32
    %dma_start3A_130 = arith.constant 0 : i32
    %dma_start3A_131 = tpu.memref_slice %arg8[%dma_start3A_129, %dma_start3A_130] : memref<48x768xf32, #tpu.memory_space<vmem>> -> memref<48x768xf32, #tpu.memory_space<vmem>>
    %dma_start3A_132 = arith.constant 0 : i32
    %dma_start3A_133 = tpu.memref_slice %arg4[%select_n3A, %add3A_128, %dma_start3A_132] : memref<4x2048x768xf32, #tpu.memory_space<hbm>> -> memref<1x48x768xf32, #tpu.memory_space<hbm>>
    %dma_start3A_134 = tpu.memref_squeeze %dma_start3A_133 : memref<1x48x768xf32, #tpu.memory_space<hbm>> -> memref<48x768xf32, #tpu.memory_space<hbm>>
    %dma_start3A_135 = arith.constant 0 : i32
    %dma_start3A_136 = tpu.memref_slice %arg4[%select_n3A, %add3A_128, %dma_start3A_135] : memref<4x2048x768xf32, #tpu.memory_space<hbm>> -> memref<1x48x768xf32, #tpu.memory_space<hbm>>
    %dma_start3A_137 = tpu.memref_squeeze %dma_start3A_136 : memref<1x48x768xf32, #tpu.memory_space<hbm>> -> memref<48x768xf32, #tpu.memory_space<hbm>>
    %dma_start3A_138 = arith.constant 0 : i32
    %dma_start3A_139 = arith.constant 0 : i32
    %dma_start3A_140 = tpu.memref_slice %arg8[%dma_start3A_138, %dma_start3A_139] : memref<48x768xf32, #tpu.memory_space<vmem>> -> memref<48x768xf32, #tpu.memory_space<vmem>>
    tpu.enqueue_dma source(%dma_start3A_140 : memref<48x768xf32, #tpu.memory_space<vmem>>) target(%dma_start3A_137 : memref<48x768xf32, #tpu.memory_space<hbm>>) target_semaphore(%arg14 : memref<!tpu.dma_semaphore, #tpu.memory_space<semaphore_mem>>)
    %dma_wait3A_141 = arith.constant 0 : i32
    %dma_wait3A_142 = arith.constant 0 : i32
    %dma_wait3A_143 = tpu.memref_slice %arg7[%dma_wait3A_141, %dma_wait3A_142] : memref<48x768xf32, #tpu.memory_space<vmem>> -> memref<48x768xf32, #tpu.memory_space<vmem>>
    %dma_wait3A_144 = arith.constant 0 : i32
    %dma_wait3A_145 = tpu.memref_slice %arg4[%select_n3A, %add3A_86, %dma_wait3A_144] : memref<4x2048x768xf32, #tpu.memory_space<hbm>> -> memref<1x48x768xf32, #tpu.memory_space<hbm>>
    %dma_wait3A_146 = tpu.memref_squeeze %dma_wait3A_145 : memref<1x48x768xf32, #tpu.memory_space<hbm>> -> memref<48x768xf32, #tpu.memory_space<hbm>>
    %dma_wait3A_147 = arith.constant 0 : i32
    %dma_wait3A_148 = tpu.memref_slice %arg4[%select_n3A, %add3A_86, %dma_wait3A_147] : memref<4x2048x768xf32, #tpu.memory_space<hbm>> -> memref<1x48x768xf32, #tpu.memory_space<hbm>>
    %dma_wait3A_149 = tpu.memref_squeeze %dma_wait3A_148 : memref<1x48x768xf32, #tpu.memory_space<hbm>> -> memref<48x768xf32, #tpu.memory_space<hbm>>
    %dma_wait3A_150 = arith.constant 0 : i32
    %dma_wait3A_151 = arith.constant 0 : i32
    %dma_wait3A_152 = tpu.memref_slice %arg7[%dma_wait3A_150, %dma_wait3A_151] : memref<48x768xf32, #tpu.memory_space<vmem>> -> memref<48x768xf32, #tpu.memory_space<vmem>>
    tpu.wait_dma2 semaphore(%arg13 : memref<!tpu.dma_semaphore, #tpu.memory_space<semaphore_mem>>) src(%dma_wait3A_152 : memref<48x768xf32, #tpu.memory_space<vmem>>) dst(%dma_wait3A_149 : memref<48x768xf32, #tpu.memory_space<hbm>>)
    %dma_start3A_153 = arith.constant 0 : i32
    %dma_start3A_154 = arith.constant 0 : i32
    %dma_start3A_155 = tpu.memref_slice %arg7[%dma_start3A_153, %dma_start3A_154] : memref<48x768xf32, #tpu.memory_space<vmem>> -> memref<48x768xf32, #tpu.memory_space<vmem>>
    %dma_start3A_156 = arith.constant 192 : i32
    %dma_start3A_157 = tpu.memref_slice %arg5[%dma_start3A_156] : memref<256xi32, #tpu.memory_space<vmem>> -> memref<48xi32, #tpu.memory_space<vmem>>
    %dma_start3A_158 = arith.constant 0 : i32
    %dma_start3A_159 = arith.constant 0 : i32
    %dma_start3A_160 = tpu.memref_slice %arg2[%dma_start3A_158, %dma_start3A_159] : memref<100000x768xf32, #tpu.memory_space<hbm>> -> memref<100000x768xf32, #tpu.memory_space<hbm>>
    tpu.enqueue_indirect_dma source(%dma_start3A_160 : memref<100000x768xf32, #tpu.memory_space<hbm>>) target(%dma_start3A_155 : memref<48x768xf32, #tpu.memory_space<vmem>>) offsets(%dma_start3A_157 : memref<48xi32, #tpu.memory_space<vmem>>) semaphore(%arg10 : memref<!tpu.dma_semaphore, #tpu.memory_space<semaphore_mem>>)
    %dma_wait3A_161 = arith.constant 0 : i32
    %dma_wait3A_162 = arith.constant 0 : i32
    %dma_wait3A_163 = tpu.memref_slice %arg6[%dma_wait3A_161, %dma_wait3A_162] : memref<48x768xf32, #tpu.memory_space<vmem>> -> memref<48x768xf32, #tpu.memory_space<vmem>>
    %dma_wait3A_164 = arith.constant 144 : i32
    %dma_wait3A_165 = tpu.memref_slice %arg5[%dma_wait3A_164] : memref<256xi32, #tpu.memory_space<vmem>> -> memref<48xi32, #tpu.memory_space<vmem>>
    %dma_wait3A_166 = arith.constant 0 : i32
    %dma_wait3A_167 = arith.constant 0 : i32
    %dma_wait3A_168 = tpu.memref_slice %arg2[%dma_wait3A_166, %dma_wait3A_167] : memref<100000x768xf32, #tpu.memory_space<hbm>> -> memref<100000x768xf32, #tpu.memory_space<hbm>>
    tpu.wait_indirect_dma semaphore(%arg9 : memref<!tpu.dma_semaphore, #tpu.memory_space<semaphore_mem>>) src(%dma_wait3A_168 : memref<100000x768xf32, #tpu.memory_space<hbm>>) dst(%dma_wait3A_163 : memref<48x768xf32, #tpu.memory_space<vmem>>)
    %add3A_169 = arith.constant 144 : i32
    %add3A_170 = arith.addi %mul3A_32, %add3A_169 : i32
    %dma_start3A_171 = arith.constant 0 : i32
    %dma_start3A_172 = arith.constant 0 : i32
    %dma_start3A_173 = tpu.memref_slice %arg6[%dma_start3A_171, %dma_start3A_172] : memref<48x768xf32, #tpu.memory_space<vmem>> -> memref<48x768xf32, #tpu.memory_space<vmem>>
    %dma_start3A_174 = arith.constant 0 : i32
    %dma_start3A_175 = tpu.memref_slice %arg4[%select_n3A, %add3A_170, %dma_start3A_174] : memref<4x2048x768xf32, #tpu.memory_space<hbm>> -> memref<1x48x768xf32, #tpu.memory_space<hbm>>
    %dma_start3A_176 = tpu.memref_squeeze %dma_start3A_175 : memref<1x48x768xf32, #tpu.memory_space<hbm>> -> memref<48x768xf32, #tpu.memory_space<hbm>>
    %dma_start3A_177 = arith.constant 0 : i32
    %dma_start3A_178 = tpu.memref_slice %arg4[%select_n3A, %add3A_170, %dma_start3A_177] : memref<4x2048x768xf32, #tpu.memory_space<hbm>> -> memref<1x48x768xf32, #tpu.memory_space<hbm>>
    %dma_start3A_179 = tpu.memref_squeeze %dma_start3A_178 : memref<1x48x768xf32, #tpu.memory_space<hbm>> -> memref<48x768xf32, #tpu.memory_space<hbm>>
    %dma_start3A_180 = arith.constant 0 : i32
    %dma_start3A_181 = arith.constant 0 : i32
    %dma_start3A_182 = tpu.memref_slice %arg6[%dma_start3A_180, %dma_start3A_181] : memref<48x768xf32, #tpu.memory_space<vmem>> -> memref<48x768xf32, #tpu.memory_space<vmem>>
    tpu.enqueue_dma source(%dma_start3A_182 : memref<48x768xf32, #tpu.memory_space<vmem>>) target(%dma_start3A_179 : memref<48x768xf32, #tpu.memory_space<hbm>>) target_semaphore(%arg12 : memref<!tpu.dma_semaphore, #tpu.memory_space<semaphore_mem>>)
    %dma_wait3A_183 = arith.constant 0 : i32
    %dma_wait3A_184 = arith.constant 0 : i32
    %dma_wait3A_185 = tpu.memref_slice %arg8[%dma_wait3A_183, %dma_wait3A_184] : memref<48x768xf32, #tpu.memory_space<vmem>> -> memref<48x768xf32, #tpu.memory_space<vmem>>
    %dma_wait3A_186 = arith.constant 0 : i32
    %dma_wait3A_187 = tpu.memref_slice %arg4[%select_n3A, %add3A_128, %dma_wait3A_186] : memref<4x2048x768xf32, #tpu.memory_space<hbm>> -> memref<1x48x768xf32, #tpu.memory_space<hbm>>
    %dma_wait3A_188 = tpu.memref_squeeze %dma_wait3A_187 : memref<1x48x768xf32, #tpu.memory_space<hbm>> -> memref<48x768xf32, #tpu.memory_space<hbm>>
    %dma_wait3A_189 = arith.constant 0 : i32
    %dma_wait3A_190 = tpu.memref_slice %arg4[%select_n3A, %add3A_128, %dma_wait3A_189] : memref<4x2048x768xf32, #tpu.memory_space<hbm>> -> memref<1x48x768xf32, #tpu.memory_space<hbm>>
    %dma_wait3A_191 = tpu.memref_squeeze %dma_wait3A_190 : memref<1x48x768xf32, #tpu.memory_space<hbm>> -> memref<48x768xf32, #tpu.memory_space<hbm>>
    %dma_wait3A_192 = arith.constant 0 : i32
    %dma_wait3A_193 = arith.constant 0 : i32
    %dma_wait3A_194 = tpu.memref_slice %arg8[%dma_wait3A_192, %dma_wait3A_193] : memref<48x768xf32, #tpu.memory_space<vmem>> -> memref<48x768xf32, #tpu.memory_space<vmem>>
    tpu.wait_dma2 semaphore(%arg14 : memref<!tpu.dma_semaphore, #tpu.memory_space<semaphore_mem>>) src(%dma_wait3A_194 : memref<48x768xf32, #tpu.memory_space<vmem>>) dst(%dma_wait3A_191 : memref<48x768xf32, #tpu.memory_space<hbm>>)
    %dma_start3A_195 = arith.constant 0 : i32
    %dma_start3A_196 = arith.constant 0 : i32
    %dma_start3A_197 = tpu.memref_slice %arg8[%dma_start3A_195, %dma_start3A_196] : memref<48x768xf32, #tpu.memory_space<vmem>> -> memref<16x768xf32, #tpu.memory_space<vmem>>
    %dma_start3A_198 = arith.constant 240 : i32
    %dma_start3A_199 = tpu.memref_slice %arg5[%dma_start3A_198] : memref<256xi32, #tpu.memory_space<vmem>> -> memref<16xi32, #tpu.memory_space<vmem>>
    %dma_start3A_200 = arith.constant 0 : i32
    %dma_start3A_201 = arith.constant 0 : i32
    %dma_start3A_202 = tpu.memref_slice %arg2[%dma_start3A_200, %dma_start3A_201] : memref<100000x768xf32, #tpu.memory_space<hbm>> -> memref<100000x768xf32, #tpu.memory_space<hbm>>
    tpu.enqueue_indirect_dma source(%dma_start3A_202 : memref<100000x768xf32, #tpu.memory_space<hbm>>) target(%dma_start3A_197 : memref<16x768xf32, #tpu.memory_space<vmem>>) offsets(%dma_start3A_199 : memref<16xi32, #tpu.memory_space<vmem>>) semaphore(%arg11 : memref<!tpu.dma_semaphore, #tpu.memory_space<semaphore_mem>>)
    %dma_wait3A_203 = arith.constant 0 : i32
    %dma_wait3A_204 = arith.constant 0 : i32
    %dma_wait3A_205 = tpu.memref_slice %arg7[%dma_wait3A_203, %dma_wait3A_204] : memref<48x768xf32, #tpu.memory_space<vmem>> -> memref<48x768xf32, #tpu.memory_space<vmem>>
    %dma_wait3A_206 = arith.constant 192 : i32
    %dma_wait3A_207 = tpu.memref_slice %arg5[%dma_wait3A_206] : memref<256xi32, #tpu.memory_space<vmem>> -> memref<48xi32, #tpu.memory_space<vmem>>
    %dma_wait3A_208 = arith.constant 0 : i32
    %dma_wait3A_209 = arith.constant 0 : i32
    %dma_wait3A_210 = tpu.memref_slice %arg2[%dma_wait3A_208, %dma_wait3A_209] : memref<100000x768xf32, #tpu.memory_space<hbm>> -> memref<100000x768xf32, #tpu.memory_space<hbm>>
    tpu.wait_indirect_dma semaphore(%arg10 : memref<!tpu.dma_semaphore, #tpu.memory_space<semaphore_mem>>) src(%dma_wait3A_210 : memref<100000x768xf32, #tpu.memory_space<hbm>>) dst(%dma_wait3A_205 : memref<48x768xf32, #tpu.memory_space<vmem>>)
    %add3A_211 = arith.constant 192 : i32
    %add3A_212 = arith.addi %mul3A_32, %add3A_211 : i32
    %dma_start3A_213 = arith.constant 0 : i32
    %dma_start3A_214 = arith.constant 0 : i32
    %dma_start3A_215 = tpu.memref_slice %arg7[%dma_start3A_213, %dma_start3A_214] : memref<48x768xf32, #tpu.memory_space<vmem>> -> memref<48x768xf32, #tpu.memory_space<vmem>>
    %dma_start3A_216 = arith.constant 0 : i32
    %dma_start3A_217 = tpu.memref_slice %arg4[%select_n3A, %add3A_212, %dma_start3A_216] : memref<4x2048x768xf32, #tpu.memory_space<hbm>> -> memref<1x48x768xf32, #tpu.memory_space<hbm>>
    %dma_start3A_218 = tpu.memref_squeeze %dma_start3A_217 : memref<1x48x768xf32, #tpu.memory_space<hbm>> -> memref<48x768xf32, #tpu.memory_space<hbm>>
    %dma_start3A_219 = arith.constant 0 : i32
    %dma_start3A_220 = tpu.memref_slice %arg4[%select_n3A, %add3A_212, %dma_start3A_219] : memref<4x2048x768xf32, #tpu.memory_space<hbm>> -> memref<1x48x768xf32, #tpu.memory_space<hbm>>
    %dma_start3A_221 = tpu.memref_squeeze %dma_start3A_220 : memref<1x48x768xf32, #tpu.memory_space<hbm>> -> memref<48x768xf32, #tpu.memory_space<hbm>>
    %dma_start3A_222 = arith.constant 0 : i32
    %dma_start3A_223 = arith.constant 0 : i32
    %dma_start3A_224 = tpu.memref_slice %arg7[%dma_start3A_222, %dma_start3A_223] : memref<48x768xf32, #tpu.memory_space<vmem>> -> memref<48x768xf32, #tpu.memory_space<vmem>>
    tpu.enqueue_dma source(%dma_start3A_224 : memref<48x768xf32, #tpu.memory_space<vmem>>) target(%dma_start3A_221 : memref<48x768xf32, #tpu.memory_space<hbm>>) target_semaphore(%arg13 : memref<!tpu.dma_semaphore, #tpu.memory_space<semaphore_mem>>)
    %dma_wait3A_225 = arith.constant 0 : i32
    %dma_wait3A_226 = arith.constant 0 : i32
    %dma_wait3A_227 = tpu.memref_slice %arg8[%dma_wait3A_225, %dma_wait3A_226] : memref<48x768xf32, #tpu.memory_space<vmem>> -> memref<16x768xf32, #tpu.memory_space<vmem>>
    %dma_wait3A_228 = arith.constant 240 : i32
    %dma_wait3A_229 = tpu.memref_slice %arg5[%dma_wait3A_228] : memref<256xi32, #tpu.memory_space<vmem>> -> memref<16xi32, #tpu.memory_space<vmem>>
    %dma_wait3A_230 = arith.constant 0 : i32
    %dma_wait3A_231 = arith.constant 0 : i32
    %dma_wait3A_232 = tpu.memref_slice %arg2[%dma_wait3A_230, %dma_wait3A_231] : memref<100000x768xf32, #tpu.memory_space<hbm>> -> memref<100000x768xf32, #tpu.memory_space<hbm>>
    tpu.wait_indirect_dma semaphore(%arg11 : memref<!tpu.dma_semaphore, #tpu.memory_space<semaphore_mem>>) src(%dma_wait3A_232 : memref<100000x768xf32, #tpu.memory_space<hbm>>) dst(%dma_wait3A_227 : memref<16x768xf32, #tpu.memory_space<vmem>>)
    %add3A_233 = arith.constant 240 : i32
    %add3A_234 = arith.addi %mul3A_32, %add3A_233 : i32
    %dma_start3A_235 = arith.constant 0 : i32
    %dma_start3A_236 = arith.constant 0 : i32
    %dma_start3A_237 = tpu.memref_slice %arg8[%dma_start3A_235, %dma_start3A_236] : memref<48x768xf32, #tpu.memory_space<vmem>> -> memref<16x768xf32, #tpu.memory_space<vmem>>
    %dma_start3A_238 = arith.constant 0 : i32
    %dma_start3A_239 = tpu.memref_slice %arg4[%select_n3A, %add3A_234, %dma_start3A_238] : memref<4x2048x768xf32, #tpu.memory_space<hbm>> -> memref<1x16x768xf32, #tpu.memory_space<hbm>>
    %dma_start3A_240 = tpu.memref_squeeze %dma_start3A_239 : memref<1x16x768xf32, #tpu.memory_space<hbm>> -> memref<16x768xf32, #tpu.memory_space<hbm>>
    %dma_start3A_241 = arith.constant 0 : i32
    %dma_start3A_242 = tpu.memref_slice %arg4[%select_n3A, %add3A_234, %dma_start3A_241] : memref<4x2048x768xf32, #tpu.memory_space<hbm>> -> memref<1x16x768xf32, #tpu.memory_space<hbm>>
    %dma_start3A_243 = tpu.memref_squeeze %dma_start3A_242 : memref<1x16x768xf32, #tpu.memory_space<hbm>> -> memref<16x768xf32, #tpu.memory_space<hbm>>
    %dma_start3A_244 = arith.constant 0 : i32
    %dma_start3A_245 = arith.constant 0 : i32
    %dma_start3A_246 = tpu.memref_slice %arg8[%dma_start3A_244, %dma_start3A_245] : memref<48x768xf32, #tpu.memory_space<vmem>> -> memref<16x768xf32, #tpu.memory_space<vmem>>
    tpu.enqueue_dma source(%dma_start3A_246 : memref<16x768xf32, #tpu.memory_space<vmem>>) target(%dma_start3A_243 : memref<16x768xf32, #tpu.memory_space<hbm>>) target_semaphore(%arg14 : memref<!tpu.dma_semaphore, #tpu.memory_space<semaphore_mem>>)
    %dma_wait3A_247 = arith.constant 0 : i32
    %dma_wait3A_248 = arith.constant 0 : i32
    %dma_wait3A_249 = tpu.memref_slice %arg6[%dma_wait3A_247, %dma_wait3A_248] : memref<48x768xf32, #tpu.memory_space<vmem>> -> memref<48x768xf32, #tpu.memory_space<vmem>>
    %dma_wait3A_250 = arith.constant 0 : i32
    %dma_wait3A_251 = tpu.memref_slice %arg4[%select_n3A, %add3A_170, %dma_wait3A_250] : memref<4x2048x768xf32, #tpu.memory_space<hbm>> -> memref<1x48x768xf32, #tpu.memory_space<hbm>>
    %dma_wait3A_252 = tpu.memref_squeeze %dma_wait3A_251 : memref<1x48x768xf32, #tpu.memory_space<hbm>> -> memref<48x768xf32, #tpu.memory_space<hbm>>
    %dma_wait3A_253 = arith.constant 0 : i32
    %dma_wait3A_254 = tpu.memref_slice %arg4[%select_n3A, %add3A_170, %dma_wait3A_253] : memref<4x2048x768xf32, #tpu.memory_space<hbm>> -> memref<1x48x768xf32, #tpu.memory_space<hbm>>
    %dma_wait3A_255 = tpu.memref_squeeze %dma_wait3A_254 : memref<1x48x768xf32, #tpu.memory_space<hbm>> -> memref<48x768xf32, #tpu.memory_space<hbm>>
    %dma_wait3A_256 = arith.constant 0 : i32
    %dma_wait3A_257 = arith.constant 0 : i32
    %dma_wait3A_258 = tpu.memref_slice %arg6[%dma_wait3A_256, %dma_wait3A_257] : memref<48x768xf32, #tpu.memory_space<vmem>> -> memref<48x768xf32, #tpu.memory_space<vmem>>
    tpu.wait_dma2 semaphore(%arg12 : memref<!tpu.dma_semaphore, #tpu.memory_space<semaphore_mem>>) src(%dma_wait3A_258 : memref<48x768xf32, #tpu.memory_space<vmem>>) dst(%dma_wait3A_255 : memref<48x768xf32, #tpu.memory_space<hbm>>)
    %dma_wait3A_259 = arith.constant 0 : i32
    %dma_wait3A_260 = arith.constant 0 : i32
    %dma_wait3A_261 = tpu.memref_slice %arg7[%dma_wait3A_259, %dma_wait3A_260] : memref<48x768xf32, #tpu.memory_space<vmem>> -> memref<48x768xf32, #tpu.memory_space<vmem>>
    %dma_wait3A_262 = arith.constant 0 : i32
    %dma_wait3A_263 = tpu.memref_slice %arg4[%select_n3A, %add3A_212, %dma_wait3A_262] : memref<4x2048x768xf32, #tpu.memory_space<hbm>> -> memref<1x48x768xf32, #tpu.memory_space<hbm>>
    %dma_wait3A_264 = tpu.memref_squeeze %dma_wait3A_263 : memref<1x48x768xf32, #tpu.memory_space<hbm>> -> memref<48x768xf32, #tpu.memory_space<hbm>>
    %dma_wait3A_265 = arith.constant 0 : i32
    %dma_wait3A_266 = tpu.memref_slice %arg4[%select_n3A, %add3A_212, %dma_wait3A_265] : memref<4x2048x768xf32, #tpu.memory_space<hbm>> -> memref<1x48x768xf32, #tpu.memory_space<hbm>>
    %dma_wait3A_267 = tpu.memref_squeeze %dma_wait3A_266 : memref<1x48x768xf32, #tpu.memory_space<hbm>> -> memref<48x768xf32, #tpu.memory_space<hbm>>
    %dma_wait3A_268 = arith.constant 0 : i32
    %dma_wait3A_269 = arith.constant 0 : i32
    %dma_wait3A_270 = tpu.memref_slice %arg7[%dma_wait3A_268, %dma_wait3A_269] : memref<48x768xf32, #tpu.memory_space<vmem>> -> memref<48x768xf32, #tpu.memory_space<vmem>>
    tpu.wait_dma2 semaphore(%arg13 : memref<!tpu.dma_semaphore, #tpu.memory_space<semaphore_mem>>) src(%dma_wait3A_270 : memref<48x768xf32, #tpu.memory_space<vmem>>) dst(%dma_wait3A_267 : memref<48x768xf32, #tpu.memory_space<hbm>>)
    %dma_wait3A_271 = arith.constant 0 : i32
    %dma_wait3A_272 = arith.constant 0 : i32
    %dma_wait3A_273 = tpu.memref_slice %arg8[%dma_wait3A_271, %dma_wait3A_272] : memref<48x768xf32, #tpu.memory_space<vmem>> -> memref<16x768xf32, #tpu.memory_space<vmem>>
    %dma_wait3A_274 = arith.constant 0 : i32
    %dma_wait3A_275 = tpu.memref_slice %arg4[%select_n3A, %add3A_234, %dma_wait3A_274] : memref<4x2048x768xf32, #tpu.memory_space<hbm>> -> memref<1x16x768xf32, #tpu.memory_space<hbm>>
    %dma_wait3A_276 = tpu.memref_squeeze %dma_wait3A_275 : memref<1x16x768xf32, #tpu.memory_space<hbm>> -> memref<16x768xf32, #tpu.memory_space<hbm>>
    %dma_wait3A_277 = arith.constant 0 : i32
    %dma_wait3A_278 = tpu.memref_slice %arg4[%select_n3A, %add3A_234, %dma_wait3A_277] : memref<4x2048x768xf32, #tpu.memory_space<hbm>> -> memref<1x16x768xf32, #tpu.memory_space<hbm>>
    %dma_wait3A_279 = tpu.memref_squeeze %dma_wait3A_278 : memref<1x16x768xf32, #tpu.memory_space<hbm>> -> memref<16x768xf32, #tpu.memory_space<hbm>>
    %dma_wait3A_280 = arith.constant 0 : i32
    %dma_wait3A_281 = arith.constant 0 : i32
    %dma_wait3A_282 = tpu.memref_slice %arg8[%dma_wait3A_280, %dma_wait3A_281] : memref<48x768xf32, #tpu.memory_space<vmem>> -> memref<16x768xf32, #tpu.memory_space<vmem>>
    tpu.wait_dma2 semaphore(%arg14 : memref<!tpu.dma_semaphore, #tpu.memory_space<semaphore_mem>>) src(%dma_wait3A_282 : memref<16x768xf32, #tpu.memory_space<vmem>>) dst(%dma_wait3A_279 : memref<16x768xf32, #tpu.memory_space<hbm>>)
    return
  }
}

</mosaic_0001>

<sc_bundles>
// kernel: _embed_gather.3.cloned.1.call-start
scs
__scs_entry_jumppad:
0x0: {  	(pc) =	sbr.rel $0x88, $3  }
0x1: {  	(tag) =	ssettag $0x0;
	lr =	simm.s32 $0x1  }
0x2: {  	[smem:$0x3F9F] =	sst lr;
	_ =	strace $0xD0000000  }
0x3: {  	_ = 	snop  }
0x4: {  	_ = 	snop  }
0x5: {  	_ = 	snop  }
0x6: {  	_ = 	snop  }
0x7: {  	_ = 	snop  }
__scs_overlays_trampoline_lowered:
0x8: {  	[smem:$0x3FAE] =	sst s0  }
0x9: {  	[smem:$0x3FAF] =	sst s1  }
0xa: {  	[smem:$0x3FB0] =	sst s2  }
0xb: {  	[smem:$0x3FB1] =	sst s3  }
0xc: {  	[smem:$0x3FB2] =	sst s4  }
0xd: {  	[smem:$0x3FB3] =	sst s5  }
0xe: {  	[smem:$0x3FB4] =	sst s6  }
0xf: {  	[smem:$0x3FB5] =	sst s7  }
0x10: {  	[smem:$0x3FB6] =	sst s8  }
0x11: {  	[smem:$0x3FB7] =	sst s9;
	s0 =	simm.s32 @!p0 $0x0  }
0x12: {  	s1 =	sld [smem:$0x3F9D];
	s0 =	simm.s32 @p0 $0x1  }
0x13: {  	[smem:$0x3FB8] =	sst s0;
	s0 =	simm.s32 @!p1 $0x0  }
0x14: {  	s2 =	sld [smem:$0x3F9C];
	s0 =	simm.s32 @p1 $0x1  }
0x15: {  	[smem:$0x3FB9] =	sst s0;
	s0 =	simm.s32 @!p2 $0x0  }
0x16: {  	s3 =	sld [smem:$0x3FDB];
	s0 =	simm.s32 @p2 $0x1  }
0x17: {  	s4 =	simm.s32 $0x1BF5;
	[smem:$0x3FBB] =	sst s0  }
0x18: {  	s0 =	sld [smem:$0x3F9E];
	_ =	swait.ge [sflag:s4], $0x0  }
0x19: {  	s7 =	sld [smem:$0x3F9F]  }
0x1a: {  	s8 =	sadd.s32 $0xFFFFE003, lr  }
0x1b: {  	s9 =	sadd.s32 $0xFFFFFEF7, lr;
	s5 =	simm.s32 $0xFFFFFFFF;
	p2 =	slt.u32 s8, $0xFFFFF086  }
0x1c: {  	p1 =	slt.u32 s9, $0xF7A;
	s5 =	simm.s32 @!p2 $0x0  }
0x1d: {  	s5 =	simm.s32 @p1 $0x1;
	p0 =	seq.s32 s7, s2  }
0x1e: {  	s7 =	smul.u32 @!p0 $0xF7A, s2;
	p2 =	seq.s32 @!p0 s5, $0x0  }
0x1f: {  	s9 =	smul.u32 $0xF7A, s1;
	s8 =	simm.s32 @!p0 $0x1BF5;
	p2 =	por !p2, p0  }
0x20: {  	[sflag:s8] =	ssyncset.s32 @!p0 $0xFFFFF086;
	s6 =	sadd.s32 @!p0 s3, s7;
	s7 =	simm.s32 @!p0 $0x108  }
0x21: {  	s3 =	sadd.s32 s3, s9;
	s6 =	sadd.s32 @!p0 $0x88, s6;
	s7 =	simm.s32 @p2 $0x1082  }
0x22: {  	[simem:s7], [sflag:s8] =	dma.local @!p0 [hbm:s6], $0xF7A  }
0x23: {  	s9 =	sor.u32 $0xD0000000, s2;
	s6 =	simm.s32 $0x108;
	_ =	swait.ge @!p0 [sflag:s8], $0x0  }
0x24: {  	s3 =	sadd.s32 $0x88, s3;
	s6 =	simm.s32 @!p1 $0x1082;
	[sflag:s4] =	ssyncset.s32 $0xFFFFF086  }
0x25: {  	[simem:s6], [sflag:s4] =	dma.local [hbm:s3], $0xF7A  }
0x26: {  	[smem:$0x3F9F] =	sst s1;
	(tag) =	ssettag s2;
	_ =	strace s9  }
0x27: {  	s1 =	sld [smem:$0x3FAF]  }
0x28: {  	s2 =	sld [smem:$0x3FB0]  }
0x29: {  	s4 =	sld [smem:$0x3FB2]  }
0x2a: {  	p0 =	seq.s32 s5, $0x0;
	s5 =	sld [smem:$0x3FB3]  }
0x2b: {  	s6 =	sld [smem:$0x3FB4]  }
0x2c: {  	s7 =	sld [smem:$0x3FB5]  }
0x2d: {  	s3 =	simm.s32 $0x108;
	s8 =	sld [smem:$0x3FB6]  }
0x2e: {  	s3 =	simm.s32 @!p0 $0x1082;
	s9 =	sld [smem:$0x3FB7]  }
0x2f: {  	lr =	sadd.s32 s0, s3;
	s0 =	sld [smem:$0x3FAE]  }
0x30: {  	s3 =	sld [smem:$0x3FB1]  }
0x31: {  	[smem:$0x3FBA] =	sst s10  }
0x32: {  	s10 =	sld [smem:$0x3FB8];
	_ =	sdelay $0x3  }
0x33: {  	p0 =	seq.s32 s10, $0x1;
	s10 =	sld [smem:$0x3FBA];
	_ =	sdelay $0x3  }
0x34: {  	[smem:$0x3FBA] =	sst s10  }
0x35: {  	s10 =	sld [smem:$0x3FB9];
	_ =	sdelay $0x3  }
0x36: {  	p1 =	seq.s32 s10, $0x1;
	s10 =	sld [smem:$0x3FBA];
	_ =	sdelay $0x3  }
0x37: {  	[smem:$0x3FBA] =	sst s10  }
0x38: {  	s10 =	sld [smem:$0x3FBB]  }
0x39: {  	_ = 	snop;
	(pc) =	sbr.ind lr, $3  }
0x3a: {  	_ = 	snop  }
0x3b: {  	_ = 	snop  }
0x3c: {  	p2 =	seq.s32 s10, $0x1;
	s10 =	sld [smem:$0x3FBA]  }
0x3d: {  	_ =	shalt  }
0x3e: {  	_ =	shalt  }
0x3f: {  	_ =	shalt  }
0x40: {  	_ =	shalt  }
0x41: {  	_ =	shalt  }
0x42: {  	_ =	shalt  }
0x43: {  	_ =	shalt  }
0x44: {  	_ =	shalt  }
0x45: {  	_ =	shalt  }
0x46: {  	_ =	shalt  }
0x47: {  	_ =	shalt  }
0x48: {  	_ =	shalt  }
0x49: {  	_ =	shalt  }
0x4a: {  	_ =	shalt  }
0x4b: {  	_ =	shalt  }
0x4c: {  	_ =	shalt  }
0x4d: {  	_ =	shalt  }
0x4e: {  	_ =	shalt  }
0x4f: {  	_ =	shalt  }
0x50: {  	_ =	shalt  }
0x51: {  	_ =	shalt  }
0x52: {  	_ =	shalt  }
0x53: {  	_ =	shalt  }
0x54: {  	_ =	shalt  }
0x55: {  	_ =	shalt  }
0x56: {  	_ =	shalt  }
0x57: {  	_ =	shalt  }
0x58: {  	_ =	shalt  }
0x59: {  	_ =	shalt  }
0x5a: {  	_ =	shalt  }
0x5b: {  	_ =	shalt  }
0x5c: {  	_ =	shalt  }
0x5d: {  	_ =	shalt  }
0x5e: {  	_ =	shalt  }
0x5f: {  	_ =	shalt  }
0x60: {  	_ =	shalt  }
0x61: {  	_ =	shalt  }
0x62: {  	_ =	shalt  }
0x63: {  	_ =	shalt  }
0x64: {  	_ =	shalt  }
0x65: {  	_ =	shalt  }
0x66: {  	_ =	shalt  }
0x67: {  	_ =	shalt  }
0x68: {  	_ =	shalt  }
0x69: {  	_ =	shalt  }
0x6a: {  	_ =	shalt  }
0x6b: {  	_ =	shalt  }
0x6c: {  	_ =	shalt  }
0x6d: {  	_ =	shalt  }
0x6e: {  	_ =	shalt  }
0x6f: {  	_ =	shalt  }
0x70: {  	_ =	shalt  }
0x71: {  	_ =	shalt  }
0x72: {  	_ =	shalt  }
0x73: {  	_ =	shalt  }
0x74: {  	_ =	shalt  }
0x75: {  	_ =	shalt  }
0x76: {  	_ =	shalt  }
0x77: {  	_ =	shalt  }
0x78: {  	_ =	shalt  }
0x79: {  	_ =	shalt  }
0x7a: {  	_ =	shalt  }
0x7b: {  	_ =	shalt  }
0x7c: {  	_ =	shalt  }
0x7d: {  	_ =	shalt  }
0x7e: {  	_ =	shalt  }
0x7f: {  	_ =	shalt  }
0x80: {  	_ =	shalt  }
0x81: {  	_ =	shalt  }
0x82: {  	_ =	shalt  }
0x83: {  	_ =	shalt  }
0x84: {  	_ =	shalt  }
0x85: {  	_ =	shalt  }
0x86: {  	_ =	shalt  }
0x87: {  	_ =	shalt  }
.Lfunc_end0:
.L_simem_size_0:
called_computation_lowered:
.L_overlay_start_0:
0x88: {  	s2 =	sld [smem:$0x3FD9]  }
0x89: {  	s3 =	sld [smem:$0x3FFE];
	_ =	sdelay $0x1  }
0x8a: {  	s1 =	srdreg.scid  }
0x8b: {  	s0 =	sand.u32 $0x1, s1  }
0x8c: {  	s18 =	sshll.u32 s0, $0xA;
	s2 =	sadd.s32 s3, s2  }
0x8d: {  	s2 =	sadd.s32 s2, s18  }
0x8e: {  	[smem:$0x3FC6] =	sst s2  }
0x8f: {  	_ = 	snop  }
0x90: {  	s2 =	sld [smem:$0x3FC9]  }
0x91: {  	s19 =	sld [smem:$0x3FC8]  }
0x92: {  	s4 =	sld [smem:$0x3FD0];
	(tm) =	ssettm $0x1  }
0x93: {  	s5 =	sld [smem:$0x3FFB];
	_ =	sdelay $0x3  }
0x94: {  	_ =	strace s5  }
0x95: {  	s5 =	sld [smem:$0x3FFC];
	_ =	sdelay $0x3  }
0x96: {  	_ =	strace s5  }
0x97: {  	s5 =	sld [smem:$0x3FFD];
	_ =	sdelay $0x3  }
0x98: {  	_ =	strace s5  }
0x99: {  	_ =	strace $0x8FFFFFFF  }
0x9a: {  	s20 =	sld [smem:$0x3FDB];
	_ =	sdelay $0x1  }
0x9b: {  	s6 =	simm.s32 $_scs_section_size  }
0x9c: {  	s7 =	simm.s32 $_size__tile_overlayer_lowered;
	s8 =	simm.s32 $_tile_overlayer_lowered  }
0x9d: {  	s23 =	simm.s32 $0x1BFF;
	s22 =	sshll.u32 s8, $0x1;
	s5 =	sadd.s32 s6, s20  }
0x9e: {  	s9 =	simm.s32 $0x0;
	s21 =	sshll.u32 s7, $0x1;
	s7 =	sadd.s32 s22, s5  }
0x9f: {  	[timem:s9], [sflag:s23] =	dma.local [hbm:s7], s21  }
0xa0: {  	_ =	swait.ge [sflag:s23], s21  }
0xa1: {  	s6 =	ssub.s32 $0x0, s21;
	[sflag:s23] =	ssyncset.done $0x0  }
0xa2: {  	[sflag:s23] =	ssyncadd.s32 s6;
	_ =	sdelay $0x1  }
0xa3: {  	s24 =	simm.s32 $0x1B8B  }
0xa4: {  	_ =	swait.ge [sflag:s24], $0x1  }
0xa5: {  	[sflag:s24] =	ssyncset.done $0x0  }
0xa6: {  	s25 =	simm.s32 $0x1B8E;
	[sflag:s24] =	ssyncadd.s32 $0xFFFFFFFF  }
0xa7: {  	s26 =	simm.s32 $execute0_lowered;
	[smem:$0x3FD2] =	sst s25  }
0xa8: {  	s6 =	sshll.u32 s26, $0x1;
	_ =	strace $0x80000046;
	[dreg:$0x1] =	wrdreg $0xFFFFFFFF  }
0xa9: {  	s28 =	simm.s32 $_size_execute0_lowered;
	s5 =	sadd.s32 s5, s6;
	[dreg:$0x0] =	wrdreg $0x0  }
0xaa: {  	s6 =	sshll.u32 s28, $0x1;
	[dreg:$0x2] =	wrdreg s5  }
0xab: {  	[dreg:$0x3] =	wrdreg s6  }
0xac: {  	[dreg:$0x4] =	wrdreg $0xC0  }
0xad: {  	_ =	task [dreg:s9], $0x5FFFF  }
0xae: {  	[dreg:$0x1] =	wrdreg $0xFFFFFFFF  }
0xaf: {  	[dreg:$0x0] =	wrdreg $0x60  }
0xb0: {  	[dreg:$0x2] =	wrdreg s2  }
0xb1: {  	[dreg:$0x3] =	wrdreg s19  }
0xb2: {  	[dreg:$0x4] =	wrdreg s4  }
0xb3: {  	[dreg:$0x5] =	wrdreg $0x9  }
0xb4: {  	_ =	task.clear_ibuf [dreg:s9], $0x6FFFF;
	_ =	strace $0x90000046  }
0xb5: {  	s29 =	simm.s32 $0x9;
	_ =	strace $0x80000048  }
0xb6: {  	_ =	swait.ge [sflag:s29], $0x1  }
0xb7: {  	[sflag:s29] =	ssyncadd.s32 $0xFFFFFFFF  }
0xb8: {  	_ =	strace $0x90000048  }
0xb9: {  	_ =	sfence  }
0xba: {  	s30 =	sld [smem:$0x0];
	_ =	sdelay $0x2  }
0xbb: {  	s31 =	sshll.u32 s1, $0xD;
	s1 =	sshrl.u32 s1, $0x2  }
0xbc: {  	s3 =	sand.u32 $0x4000, s31;
	s1 =	sadd.s32 s1, s30  }
0xbd: {  	s0 =	sor.u32 s3, s0;
	s1 =	sshll.u32 s1, $0x11  }
0xbe: {  	s0 =	sor.u32 s1, s0  }
0xbf: {  	s0 =	sadd.s32 $0x8F2B, s0  }
0xc0: {  	[sflag:s0] =	ssyncadd.remote.s32 $0x1  }
0xc1: {  	_ =	sfence.sel $0xFFFF  }
0xc2: {  	[dreg:$0x0] =	wrdreg $0xFFFFFFFF;
	(pc) =	sbr.abs _section_cstart, $3  }
0xc3: {  	[dreg:$0x1] =	wrdreg $0xFFFFFFFF  }
0xc4: {  	_ =	task.clear_ibuf [dreg:s9], $0x2FFFF;
	_ =	strace $0x9FFFFFFF  }
0xc5: {  	(tm) =	ssettm $0x7FFFFFFF  }
tec
execute0_lowered:
.L_overlay_start_1:
0x0: {  	(tag) =	ssettag $0x1  }
0x1: {  	s1 =	rddreg [dreg:$0x0]  }
0x2: {  	s5 =	rddreg [dreg:$0x1]  }
0x3: {  	s3 =	stileid.u32;
	s7 =	rddreg [dreg:$0x2]  }
0x4: {  	s2 =	sshll.u32 s3, $0x1;
	s4 =	sshrl.u32 s3, $0x2;
	s3 =	simm.s32 $0x0  }
0x5: {  	s13 =	simm.s32 $0x80;
	[smem:$0x7FF] =	sst s3  }
0x6: {  	s14 =	simm.s32 $0x200;
	_ =	strace $0x80000047;
	[dreg:$0xa] =	wrdreg s13  }
0x7: {  	s15 =	simm.s32 $0x15100;
	[dreg:$0xb] =	wrdreg s14  }
0x8: {  	s0 =	srdreg.scid;
	s16 =	simm.s32 $0x15900;
	[dreg:$0xc] =	wrdreg s15  }
0x9: {  	s17 =	simm.s32 $0x16100;
	s18 =	simm.s32 $0x16900;
	[dreg:$0xd] =	wrdreg s16  }
0xa: {  	s19 =	simm.s32 $0x17100;
	s20 =	simm.s32 $0x17900;
	[dreg:$0xe] =	wrdreg s17  }
0xb: {  	s21 =	simm.s32 $0x18100;
	s22 =	simm.s32 $0x18900;
	[dreg:$0xf] =	wrdreg s18  }
0xc: {  	s23 =	simm.s32 $0x19100;
	s24 =	simm.s32 $0x19900;
	[dreg:$0x10] =	wrdreg s19  }
0xd: {  	s25 =	simm.s32 $0x1A100;
	s26 =	simm.s32 $0x1A900;
	[dreg:$0x11] =	wrdreg s20  }
0xe: {  	s30 =	simm.s32 $0x2;
	s31 =	simm.s32 $0x4;
	[dreg:$0x12] =	wrdreg s21  }
0xf: {  	s28 =	simm.s32 $0x100;
	s29 =	simm.s32 $0x7100;
	[dreg:$0x13] =	wrdreg s22  }
0x10: {  	s0 =	sand.u32 $0x1, s0;
	s2 =	sand.u32 $0x6, s2;
	[dreg:$0x14] =	wrdreg s23  }
0x11: {  	s6 =	smul.u32 $0x180000, s4;
	s4 =	sshll.u32 s4, $0x4;
	[dreg:$0x15] =	wrdreg s24  }
0x12: {  	s2 =	sor.u32 s0, s2;
	s4 =	sadd.s32 s5, s4;
	[dreg:$0x16] =	wrdreg s25  }
0x13: {  	s0 =	ssub.s32 $0x2, s0;
	[dreg:$0x17] =	wrdreg s26;
	s14 =	simm.s32 $0x1100  }
0x14: {  	s15 =	simm.s32 $0x1900;
	s16 =	simm.s32 $0x2100;
	s17 =	simm.s32 $0x2900  }
0x15: {  	s18 =	simm.s32 $0x3100;
	s19 =	simm.s32 $0x3900;
	s8 =	smul.u32 $0x30000, s2  }
0x16: {  	s20 =	simm.s32 $0x4100;
	s21 =	simm.s32 $0x4900;
	s24 =	simm.s32 $0x5100  }
0x17: {  	s25 =	simm.s32 $0x5900;
	s2 =	sshll.u32 s2, $0x7;
	s6 =	sadd.s32 s6, s8  }
0x18: {  	s26 =	simm.s32 $0x6900;
	s2 =	sadd.s32 s2, s4;
	s6 =	sshrl.u32 s6, $0x3  }
0x19: {  	s23 =	simm.s32 $0x8900;
	[dreg:$0x4] =	wrdreg s2;
	s5 =	sadd.s32 s7, s6  }
0x1a: {  	s22 =	simm.s32 $0x9100;
	s7 =	sadd.s32 $0x1200, s5;
	[dreg:$0x18] =	wrdreg s5  }
0x1b: {  	s10 =	sshrl.u32 s0, $0x1;
	s8 =	sadd.s32 $0x2400, s5;
	[dreg:$0x5] =	wrdreg s7  }
0x1c: {  	s0 =	ssub.s32 s0, s10;
	s9 =	sadd.s32 $0x3600, s5;
	[dreg:$0x6] =	wrdreg s8  }
0x1d: {  	s10 =	simm.s32 $0x6;
	s11 =	sadd.s32 $0x4800, s5;
	[dreg:$0x7] =	wrdreg s9  }
0x1e: {  	v2 =	vlaneseq.u32;
	s2 =	simm.s32 $0x3;
	s12 =	sadd.s32 $0x5A00, s5;
	[dreg:$0x8] =	wrdreg s11  }
0x1f: {  	vm0 =	vmmov $0xffff;
	v1 =	vshrl.u32 v2, $0x3;
	s6 =	sadd.s32 $0x200, s1;
	s5 =	sadd.s32 $0x100, s1;
	[dreg:$0x9] =	wrdreg s12  }
0x20: {  	v0 =	vand.u32 $0x7, v2;
	v2 =	vor.u32 $0x8, v2;
	v1 =	vmul.u32 $0x8, v1;
	s7 =	smax.u32 s0, $0x1;
	s9 =	simm.s32 $0x1;
	s0 =	simm.s32 $0x5  }
.LBB2_1:
0x21: {  	s11 =	rddreg [dreg:$0x4]  }
0x22: {  	s12 =	rddreg [dreg:$0xa]  }
0x23: {  	s13 =	rddreg [dreg:$0xb];
	s4 =	simm.s32 $0x7  }
0x24: {  	[tilespmem:s3], [sflag:$0x7] =	stream.strided.gather [hbm4b:s11+s12], $0x100, s13, s12, $0x38;
	[tilespmem:$0x1B100] =	vst v63  }
0x25: {  	_ =	swait.ge [sflag:s4], $0x100  }
0x26: {  	[sflag:s4] =	ssyncset.done $0x0  }
0x27: {  	[sflag:s4] =	ssyncadd.s32 $0xFFFFFF00  }
0x28: {  	v3 =	vld [tilespmem:$0x0];
	_ =	sdelay $0x4  }
0x29: {  	v4 =	vshrl.u32 v3, $0x3  }
0x2a: {  	v4 =	vmul.u32 $0x30, v4  }
0x2b: {  	v3 =	vand.u32 $0x7, v3  }
0x2c: {  	v3 =	vor.u32 v3, v4  }
0x2d: {  	v4 =	vperm.xlane v3, v0;
	_ =	sdelay $0x1  }
0x2e: {  	v4 =	vadd.s32 v1, v4;
	_ =	sdelay $0x3  }
0x2f: {  	v3 =	vperm.xlane v3, v2  }
0x30: {  	[tilespmem:s28], [sflag:$0x1] =	stream.indirect_vreg.gather [hbm4b:s1+s3], $0x80, v4, vm0, $0xb8;
	[tilespmem:$0x1B100] =	vst v63  }
0x31: {  	s13 =	simm.s32 $0x900;
	v3 =	vadd.s32 v1, v3  }
0x32: {  	[tilespmem:s13], [sflag:$0x1] =	stream.indirect_vreg.gather [hbm4b:s5+s3], $0x80, v4, vm0, $0xb8;
	[tilespmem:$0x1B100] =	vst v63  }
0x33: {  	_ = 	snop  }
0x34: {  	[tilespmem:s14], [sflag:$0x1] =	stream.indirect_vreg.gather [hbm4b:s6+s3], $0x80, v4, vm0, $0xb8;
	[tilespmem:$0x1B100] =	vst v63  }
0x35: {  	_ = 	snop  }
0x36: {  	[tilespmem:s15], [sflag:$0x1] =	stream.indirect_vreg.gather [hbm4b:s1+s3], $0x80, v3, vm0, $0xb8;
	[tilespmem:$0x1B100] =	vst v63  }
0x37: {  	_ = 	snop  }
0x38: {  	[tilespmem:s16], [sflag:$0x1] =	stream.indirect_vreg.gather [hbm4b:s5+s3], $0x80, v3, vm0, $0xb8;
	[tilespmem:$0x1B100] =	vst v63  }
0x39: {  	_ = 	snop  }
0x3a: {  	[tilespmem:s17], [sflag:$0x1] =	stream.indirect_vreg.gather [hbm4b:s6+s3], $0x80, v3, vm0, $0xb8;
	[tilespmem:$0x1B100] =	vst v63  }
0x3b: {  	v3 =	vld [tilespmem:$0x10];
	_ =	sdelay $0x4  }
0x3c: {  	v49 =	vshrl.u32 v3, $0x3  }
0x3d: {  	v4 =	vmul.u32 $0x30, v49  }
0x3e: {  	v3 =	vand.u32 $0x7, v3  }
0x3f: {  	v3 =	vor.u32 v3, v4  }
0x40: {  	v4 =	vperm.xlane v3, v0;
	_ =	sdelay $0x1  }
0x41: {  	v4 =	vadd.s32 v1, v4;
	_ =	sdelay $0x3  }
0x42: {  	v3 =	vperm.xlane v3, v2  }
0x43: {  	[tilespmem:s18], [sflag:$0x1] =	stream.indirect_vreg.gather [hbm4b:s1+s3], $0x80, v4, vm0, $0xb8;
	[tilespmem:$0x1B100] =	vst v63  }
0x44: {  	v3 =	vadd.s32 v1, v3  }
0x45: {  	[tilespmem:s19], [sflag:$0x1] =	stream.indirect_vreg.gather [hbm4b:s5+s3], $0x80, v4, vm0, $0xb8;
	[tilespmem:$0x1B100] =	vst v63  }
0x46: {  	_ = 	snop  }
0x47: {  	[tilespmem:s20], [sflag:$0x1] =	stream.indirect_vreg.gather [hbm4b:s6+s3], $0x80, v4, vm0, $0xb8;
	[tilespmem:$0x1B100] =	vst v63  }
0x48: {  	_ = 	snop  }
0x49: {  	[tilespmem:s21], [sflag:$0x1] =	stream.indirect_vreg.gather [hbm4b:s1+s3], $0x80, v3, vm0, $0xb8;
	[tilespmem:$0x1B100] =	vst v63  }
0x4a: {  	_ = 	snop  }
0x4b: {  	[tilespmem:s24], [sflag:$0x1] =	stream.indirect_vreg.gather [hbm4b:s5+s3], $0x80, v3, vm0, $0xb8;
	[tilespmem:$0x1B100] =	vst v63  }
0x4c: {  	_ = 	snop  }
0x4d: {  	[tilespmem:s25], [sflag:$0x1] =	stream.indirect_vreg.gather [hbm4b:s6+s3], $0x80, v3, vm0, $0xb8;
	[tilespmem:$0x1B100] =	vst v63  }
0x4e: {  	v3 =	vld [tilespmem:$0x20];
	_ =	sdelay $0x4  }
0x4f: {  	v50 =	vshrl.u32 v3, $0x3  }
0x50: {  	v4 =	vmul.u32 $0x30, v50  }
0x51: {  	v3 =	vand.u32 $0x7, v3  }
0x52: {  	v3 =	vor.u32 v3, v4  }
0x53: {  	v4 =	vperm.xlane v3, v0;
	_ =	sdelay $0x1  }
0x54: {  	v4 =	vadd.s32 v1, v4;
	_ =	sdelay $0x3  }
0x55: {  	s4 =	simm.s32 $0x6100;
	v3 =	vperm.xlane v3, v2  }
0x56: {  	[tilespmem:s4], [sflag:$0x1] =	stream.indirect_vreg.gather [hbm4b:s1+s3], $0x80, v4, vm0, $0xb8;
	[tilespmem:$0x1B100] =	vst v63  }
0x57: {  	v3 =	vadd.s32 v1, v3  }
0x58: {  	[tilespmem:s26], [sflag:$0x1] =	stream.indirect_vreg.gather [hbm4b:s5+s3], $0x80, v4, vm0, $0xb8;
	[tilespmem:$0x1B100] =	vst v63  }
0x59: {  	_ = 	snop  }
0x5a: {  	[tilespmem:s29], [sflag:$0x1] =	stream.indirect_vreg.gather [hbm4b:s6+s3], $0x80, v4, vm0, $0xb8;
	[tilespmem:$0x1B100] =	vst v63  }
0x5b: {  	s8 =	simm.s32 $0x7900  }
0x5c: {  	[tilespmem:s8], [sflag:$0x1] =	stream.indirect_vreg.gather [hbm4b:s1+s3], $0x80, v3, vm0, $0xb8;
	[tilespmem:$0x1B100] =	vst v63  }
0x5d: {  	s11 =	simm.s32 $0x8100  }
0x5e: {  	[tilespmem:s11], [sflag:$0x1] =	stream.indirect_vreg.gather [hbm4b:s5+s3], $0x80, v3, vm0, $0xb8;
	[tilespmem:$0x1B100] =	vst v63  }
0x5f: {  	_ = 	snop  }
0x60: {  	[tilespmem:s23], [sflag:$0x1] =	stream.indirect_vreg.gather [hbm4b:s6+s3], $0x80, v3, vm0, $0xb8;
	[tilespmem:$0x1B100] =	vst v63  }
0x61: {  	v3 =	vld [tilespmem:$0x30];
	_ =	sdelay $0x4  }
0x62: {  	v51 =	vshrl.u32 v3, $0x3  }
0x63: {  	v4 =	vmul.u32 $0x30, v51  }
0x64: {  	v3 =	vand.u32 $0x7, v3  }
0x65: {  	v3 =	vor.u32 v3, v4  }
0x66: {  	v4 =	vperm.xlane v3, v0;
	_ =	sdelay $0x1  }
0x67: {  	v4 =	vadd.s32 v1, v4;
	_ =	sdelay $0x3  }
0x68: {  	v3 =	vperm.xlane v3, v2  }
0x69: {  	[tilespmem:s22], [sflag:$0x2] =	stream.indirect_vreg.gather [hbm4b:s1+s3], $0x80, v4, vm0, $0xb8;
	[tilespmem:$0x1B100] =	vst v63  }
0x6a: {  	s12 =	simm.s32 $0x9900;
	v3 =	vadd.s32 v1, v3  }
0x6b: {  	[tilespmem:s12], [sflag:$0x2] =	stream.indirect_vreg.gather [hbm4b:s5+s3], $0x80, v4, vm0, $0xb8;
	[tilespmem:$0x1B100] =	vst v63  }
0x6c: {  	s11 =	simm.s32 $0xA100  }
0x6d: {  	[tilespmem:s11], [sflag:$0x2] =	stream.indirect_vreg.gather [hbm4b:s6+s3], $0x80, v4, vm0, $0xb8;
	[tilespmem:$0x1B100] =	vst v63  }
0x6e: {  	s12 =	simm.s32 $0xA900  }
0x6f: {  	[tilespmem:s12], [sflag:$0x2] =	stream.indirect_vreg.gather [hbm4b:s1+s3], $0x80, v3, vm0, $0xb8;
	[tilespmem:$0x1B100] =	vst v63  }
0x70: {  	s11 =	simm.s32 $0xB100  }
0x71: {  	[tilespmem:s11], [sflag:$0x2] =	stream.indirect_vreg.gather [hbm4b:s5+s3], $0x80, v3, vm0, $0xb8;
	[tilespmem:$0x1B100] =	vst v63  }
0x72: {  	s12 =	simm.s32 $0xB900  }
0x73: {  	[tilespmem:s12], [sflag:$0x2] =	stream.indirect_vreg.gather [hbm4b:s6+s3], $0x80, v3, vm0, $0xb8;
	[tilespmem:$0x1B100] =	vst v63  }
0x74: {  	v3 =	vld [tilespmem:$0x40];
	_ =	sdelay $0x4  }
0x75: {  	v52 =	vshrl.u32 v3, $0x3  }
0x76: {  	v4 =	vmul.u32 $0x30, v52  }
0x77: {  	v3 =	vand.u32 $0x7, v3  }
0x78: {  	v3 =	vor.u32 v3, v4  }
0x79: {  	v4 =	vperm.xlane v3, v0;
	_ =	sdelay $0x1  }
0x7a: {  	v4 =	vadd.s32 v1, v4;
	_ =	sdelay $0x3  }
0x7b: {  	s11 =	simm.s32 $0xC100;
	v3 =	vperm.xlane v3, v2  }
0x7c: {  	[tilespmem:s11], [sflag:$0x2] =	stream.indirect_vreg.gather [hbm4b:s1+s3], $0x80, v4, vm0, $0xb8;
	[tilespmem:$0x1B100] =	vst v63  }
0x7d: {  	s12 =	simm.s32 $0xC900;
	v3 =	vadd.s32 v1, v3  }
0x7e: {  	[tilespmem:s12], [sflag:$0x2] =	stream.indirect_vreg.gather [hbm4b:s5+s3], $0x80, v4, vm0, $0xb8;
	[tilespmem:$0x1B100] =	vst v63  }
0x7f: {  	s11 =	simm.s32 $0xD100  }
0x80: {  	[tilespmem:s11], [sflag:$0x2] =	stream.indirect_vreg.gather [hbm4b:s6+s3], $0x80, v4, vm0, $0xb8;
	[tilespmem:$0x1B100] =	vst v63  }
0x81: {  	s12 =	simm.s32 $0xD900  }
0x82: {  	[tilespmem:s12], [sflag:$0x2] =	stream.indirect_vreg.gather [hbm4b:s1+s3], $0x80, v3, vm0, $0xb8;
	[tilespmem:$0x1B100] =	vst v63  }
0x83: {  	s11 =	simm.s32 $0xE100  }
0x84: {  	[tilespmem:s11], [sflag:$0x2] =	stream.indirect_vreg.gather [hbm4b:s5+s3], $0x80, v3, vm0, $0xb8;
	[tilespmem:$0x1B100] =	vst v63  }
0x85: {  	s12 =	simm.s32 $0xE900  }
0x86: {  	[tilespmem:s12], [sflag:$0x2] =	stream.indirect_vreg.gather [hbm4b:s6+s3], $0x80, v3, vm0, $0xb8;
	[tilespmem:$0x1B100] =	vst v63  }
0x87: {  	v3 =	vld [tilespmem:$0x50];
	_ =	sdelay $0x4  }
0x88: {  	v53 =	vshrl.u32 v3, $0x3  }
0x89: {  	v4 =	vmul.u32 $0x30, v53  }
0x8a: {  	v3 =	vand.u32 $0x7, v3  }
0x8b: {  	v3 =	vor.u32 v3, v4  }
0x8c: {  	v4 =	vperm.xlane v3, v0;
	_ =	sdelay $0x1  }
0x8d: {  	v4 =	vadd.s32 v1, v4;
	_ =	sdelay $0x3  }
0x8e: {  	s11 =	simm.s32 $0xF100;
	v3 =	vperm.xlane v3, v2  }
0x8f: {  	[tilespmem:s11], [sflag:$0x2] =	stream.indirect_vreg.gather [hbm4b:s1+s3], $0x80, v4, vm0, $0xb8;
	[tilespmem:$0x1B100] =	vst v63  }
0x90: {  	s12 =	simm.s32 $0xF900;
	v3 =	vadd.s32 v1, v3  }
0x91: {  	[tilespmem:s12], [sflag:$0x2] =	stream.indirect_vreg.gather [hbm4b:s5+s3], $0x80, v4, vm0, $0xb8;
	[tilespmem:$0x1B100] =	vst v63  }
0x92: {  	s11 =	simm.s32 $0x10100  }
0x93: {  	[tilespmem:s11], [sflag:$0x2] =	stream.indirect_vreg.gather [hbm4b:s6+s3], $0x80, v4, vm0, $0xb8;
	[tilespmem:$0x1B100] =	vst v63  }
0x94: {  	s12 =	simm.s32 $0x10900  }
0x95: {  	[tilespmem:s12], [sflag:$0x2] =	stream.indirect_vreg.gather [hbm4b:s1+s3], $0x80, v3, vm0, $0xb8;
	[tilespmem:$0x1B100] =	vst v63  }
0x96: {  	s11 =	simm.s32 $0x11100  }
0x97: {  	[tilespmem:s11], [sflag:$0x2] =	stream.indirect_vreg.gather [hbm4b:s5+s3], $0x80, v3, vm0, $0xb8;
	[tilespmem:$0x1B100] =	vst v63  }
0x98: {  	s12 =	simm.s32 $0x11900  }
0x99: {  	[tilespmem:s12], [sflag:$0x2] =	stream.indirect_vreg.gather [hbm4b:s6+s3], $0x80, v3, vm0, $0xb8;
	[tilespmem:$0x1B100] =	vst v63  }
0x9a: {  	_ =	swait.ge [sflag:s9], $0x9000  }
0x9b: {  	[sflag:s9] =	ssyncset.done $0x0  }
0x9c: {  	s8 =	rddreg [dreg:$0x18];
	[sflag:s9] =	ssyncadd.s32 $0xFFFF7000  }
0x9d: {  	[hbm4b:s8+s3] =	stream.linear.scatter [tilespmem:s28], [sflag:$0x4], $0x9000, $0x38;
	[tilespmem:$0x1B100] =	vst v63  }
0x9e: {  	v3 =	vld [tilespmem:$0x60];
	_ =	sdelay $0x4  }
0x9f: {  	v54 =	vshrl.u32 v3, $0x3  }
0xa0: {  	v4 =	vmul.u32 $0x30, v54  }
0xa1: {  	v3 =	vand.u32 $0x7, v3  }
0xa2: {  	v3 =	vor.u32 v3, v4  }
0xa3: {  	v4 =	vperm.xlane v3, v0;
	_ =	sdelay $0x1  }
0xa4: {  	v4 =	vadd.s32 v1, v4;
	_ =	sdelay $0x3  }
0xa5: {  	s8 =	simm.s32 $0x12100;
	v3 =	vperm.xlane v3, v2  }
0xa6: {  	[tilespmem:s8], [sflag:$0x3] =	stream.indirect_vreg.gather [hbm4b:s1+s3], $0x80, v4, vm0, $0xb8;
	[tilespmem:$0x1B100] =	vst v63  }
0xa7: {  	s12 =	simm.s32 $0x12900;
	v3 =	vadd.s32 v1, v3  }
0xa8: {  	[tilespmem:s12], [sflag:$0x3] =	stream.indirect_vreg.gather [hbm4b:s5+s3], $0x80, v4, vm0, $0xb8;
	[tilespmem:$0x1B100] =	vst v63  }
0xa9: {  	s12 =	simm.s32 $0x13100  }
0xaa: {  	[tilespmem:s12], [sflag:$0x3] =	stream.indirect_vreg.gather [hbm4b:s6+s3], $0x80, v4, vm0, $0xb8;
	[tilespmem:$0x1B100] =	vst v63  }
0xab: {  	s12 =	simm.s32 $0x13900  }
0xac: {  	[tilespmem:s12], [sflag:$0x3] =	stream.indirect_vreg.gather [hbm4b:s1+s3], $0x80, v3, vm0, $0xb8;
	[tilespmem:$0x1B100] =	vst v63  }
0xad: {  	s12 =	simm.s32 $0x14100  }
0xae: {  	[tilespmem:s12], [sflag:$0x3] =	stream.indirect_vreg.gather [hbm4b:s5+s3], $0x80, v3, vm0, $0xb8;
	[tilespmem:$0x1B100] =	vst v63  }
0xaf: {  	s12 =	simm.s32 $0x14900  }
0xb0: {  	[tilespmem:s12], [sflag:$0x3] =	stream.indirect_vreg.gather [hbm4b:s6+s3], $0x80, v3, vm0, $0xb8;
	[tilespmem:$0x1B100] =	vst v63  }
0xb1: {  	v3 =	vld [tilespmem:$0x70];
	_ =	sdelay $0x4  }
0xb2: {  	v55 =	vshrl.u32 v3, $0x3  }
0xb3: {  	v4 =	vmul.u32 $0x30, v55  }
0xb4: {  	v3 =	vand.u32 $0x7, v3  }
0xb5: {  	v3 =	vor.u32 v3, v4  }
0xb6: {  	v4 =	vperm.xlane v3, v0;
	_ =	sdelay $0x1  }
0xb7: {  	v4 =	vadd.s32 v1, v4;
	_ =	sdelay $0x3  }
0xb8: {  	s11 =	rddreg [dreg:$0xc];
	v3 =	vperm.xlane v3, v2  }
0xb9: {  	[tilespmem:s11], [sflag:$0x3] =	stream.indirect_vreg.gather [hbm4b:s1+s3], $0x80, v4, vm0, $0xb8;
	[tilespmem:$0x1B100] =	vst v63  }
0xba: {  	s12 =	rddreg [dreg:$0xd];
	v3 =	vadd.s32 v1, v3  }
0xbb: {  	[tilespmem:s12], [sflag:$0x3] =	stream.indirect_vreg.gather [hbm4b:s5+s3], $0x80, v4, vm0, $0xb8;
	[tilespmem:$0x1B100] =	vst v63  }
0xbc: {  	s11 =	rddreg [dreg:$0xe]  }
0xbd: {  	[tilespmem:s11], [sflag:$0x3] =	stream.indirect_vreg.gather [hbm4b:s6+s3], $0x80, v4, vm0, $0xb8;
	[tilespmem:$0x1B100] =	vst v63  }
0xbe: {  	s12 =	rddreg [dreg:$0xf]  }
0xbf: {  	[tilespmem:s12], [sflag:$0x3] =	stream.indirect_vreg.gather [hbm4b:s1+s3], $0x80, v3, vm0, $0xb8;
	[tilespmem:$0x1B100] =	vst v63  }
0xc0: {  	s11 =	rddreg [dreg:$0x10]  }
0xc1: {  	[tilespmem:s11], [sflag:$0x3] =	stream.indirect_vreg.gather [hbm4b:s5+s3], $0x80, v3, vm0, $0xb8;
	[tilespmem:$0x1B100] =	vst v63  }
0xc2: {  	s12 =	rddreg [dreg:$0x11]  }
0xc3: {  	[tilespmem:s12], [sflag:$0x3] =	stream.indirect_vreg.gather [hbm4b:s6+s3], $0x80, v3, vm0, $0xb8;
	[tilespmem:$0x1B100] =	vst v63  }
0xc4: {  	v3 =	vld [tilespmem:$0x80];
	_ =	sdelay $0x4  }
0xc5: {  	v56 =	vshrl.u32 v3, $0x3  }
0xc6: {  	v4 =	vmul.u32 $0x30, v56  }
0xc7: {  	v3 =	vand.u32 $0x7, v3  }
0xc8: {  	v3 =	vor.u32 v3, v4  }
0xc9: {  	v4 =	vperm.xlane v3, v0;
	_ =	sdelay $0x1  }
0xca: {  	v4 =	vadd.s32 v1, v4;
	_ =	sdelay $0x3  }
0xcb: {  	s11 =	rddreg [dreg:$0x12];
	v3 =	vperm.xlane v3, v2  }
0xcc: {  	[tilespmem:s11], [sflag:$0x3] =	stream.indirect_vreg.gather [hbm4b:s1+s3], $0x80, v4, vm0, $0xb8;
	[tilespmem:$0x1B100] =	vst v63  }
0xcd: {  	s12 =	rddreg [dreg:$0x13];
	v3 =	vadd.s32 v1, v3  }
0xce: {  	[tilespmem:s12], [sflag:$0x3] =	stream.indirect_vreg.gather [hbm4b:s5+s3], $0x80, v4, vm0, $0xb8;
	[tilespmem:$0x1B100] =	vst v63  }
0xcf: {  	s11 =	rddreg [dreg:$0x14]  }
0xd0: {  	[tilespmem:s11], [sflag:$0x3] =	stream.indirect_vreg.gather [hbm4b:s6+s3], $0x80, v4, vm0, $0xb8;
	[tilespmem:$0x1B100] =	vst v63  }
0xd1: {  	s12 =	rddreg [dreg:$0x15]  }
0xd2: {  	[tilespmem:s12], [sflag:$0x3] =	stream.indirect_vreg.gather [hbm4b:s1+s3], $0x80, v3, vm0, $0xb8;
	[tilespmem:$0x1B100] =	vst v63  }
0xd3: {  	s11 =	rddreg [dreg:$0x16]  }
0xd4: {  	[tilespmem:s11], [sflag:$0x3] =	stream.indirect_vreg.gather [hbm4b:s5+s3], $0x80, v3, vm0, $0xb8;
	[tilespmem:$0x1B100] =	vst v63  }
0xd5: {  	s12 =	rddreg [dreg:$0x17]  }
0xd6: {  	[tilespmem:s12], [sflag:$0x3] =	stream.indirect_vreg.gather [hbm4b:s6+s3], $0x80, v3, vm0, $0xb8;
	[tilespmem:$0x1B100] =	vst v63  }
0xd7: {  	_ =	swait.ge [sflag:s30], $0x9000  }
0xd8: {  	[sflag:s30] =	ssyncset.done $0x0  }
0xd9: {  	s12 =	rddreg [dreg:$0x5];
	[sflag:s30] =	ssyncadd.s32 $0xFFFF7000  }
0xda: {  	[hbm4b:s12+s3] =	stream.linear.scatter [tilespmem:s22], [sflag:$0x5], $0x9000, $0x38;
	[tilespmem:$0x1B100] =	vst v63  }
0xdb: {  	_ =	swait.ge [sflag:s31], $0x9000  }
0xdc: {  	[sflag:s31] =	ssyncset.done $0x0  }
0xdd: {  	[sflag:s31] =	ssyncadd.s32 $0xFFFF7000  }
0xde: {  	v3 =	vld [tilespmem:$0x90];
	_ =	sdelay $0x4  }
0xdf: {  	v57 =	vshrl.u32 v3, $0x3  }
0xe0: {  	v4 =	vmul.u32 $0x30, v57  }
0xe1: {  	v3 =	vand.u32 $0x7, v3  }
0xe2: {  	v3 =	vor.u32 v3, v4  }
0xe3: {  	v4 =	vperm.xlane v3, v0;
	_ =	sdelay $0x1  }
0xe4: {  	v4 =	vadd.s32 v1, v4;
	_ =	sdelay $0x3  }
0xe5: {  	v3 =	vperm.xlane v3, v2  }
0xe6: {  	[tilespmem:s28], [sflag:$0x1] =	stream.indirect_vreg.gather [hbm4b:s1+s3], $0x80, v4, vm0, $0xb8;
	[tilespmem:$0x1B100] =	vst v63  }
0xe7: {  	v3 =	vadd.s32 v1, v3  }
0xe8: {  	[tilespmem:s13], [sflag:$0x1] =	stream.indirect_vreg.gather [hbm4b:s5+s3], $0x80, v4, vm0, $0xb8;
	[tilespmem:$0x1B100] =	vst v63  }
0xe9: {  	_ = 	snop  }
0xea: {  	[tilespmem:s14], [sflag:$0x1] =	stream.indirect_vreg.gather [hbm4b:s6+s3], $0x80, v4, vm0, $0xb8;
	[tilespmem:$0x1B100] =	vst v63  }
0xeb: {  	_ = 	snop  }
0xec: {  	[tilespmem:s15], [sflag:$0x1] =	stream.indirect_vreg.gather [hbm4b:s1+s3], $0x80, v3, vm0, $0xb8;
	[tilespmem:$0x1B100] =	vst v63  }
0xed: {  	_ = 	snop  }
0xee: {  	[tilespmem:s16], [sflag:$0x1] =	stream.indirect_vreg.gather [hbm4b:s5+s3], $0x80, v3, vm0, $0xb8;
	[tilespmem:$0x1B100] =	vst v63  }
0xef: {  	_ = 	snop  }
0xf0: {  	[tilespmem:s17], [sflag:$0x1] =	stream.indirect_vreg.gather [hbm4b:s6+s3], $0x80, v3, vm0, $0xb8;
	[tilespmem:$0x1B100] =	vst v63  }
0xf1: {  	v3 =	vld [tilespmem:$0xA0];
	_ =	sdelay $0x4  }
0xf2: {  	v58 =	vshrl.u32 v3, $0x3  }
0xf3: {  	v4 =	vmul.u32 $0x30, v58  }
0xf4: {  	v3 =	vand.u32 $0x7, v3  }
0xf5: {  	v3 =	vor.u32 v3, v4  }
0xf6: {  	v4 =	vperm.xlane v3, v0;
	_ =	sdelay $0x1  }
0xf7: {  	v4 =	vadd.s32 v1, v4;
	_ =	sdelay $0x3  }
0xf8: {  	v3 =	vperm.xlane v3, v2  }
0xf9: {  	[tilespmem:s18], [sflag:$0x1] =	stream.indirect_vreg.gather [hbm4b:s1+s3], $0x80, v4, vm0, $0xb8;
	[tilespmem:$0x1B100] =	vst v63  }
0xfa: {  	v3 =	vadd.s32 v1, v3  }
0xfb: {  	[tilespmem:s19], [sflag:$0x1] =	stream.indirect_vreg.gather [hbm4b:s5+s3], $0x80, v4, vm0, $0xb8;
	[tilespmem:$0x1B100] =	vst v63  }
0xfc: {  	_ = 	snop  }
0xfd: {  	[tilespmem:s20], [sflag:$0x1] =	stream.indirect_vreg.gather [hbm4b:s6+s3], $0x80, v4, vm0, $0xb8;
	[tilespmem:$0x1B100] =	vst v63  }
0xfe: {  	_ = 	snop  }
0xff: {  	[tilespmem:s21], [sflag:$0x1] =	stream.indirect_vreg.gather [hbm4b:s1+s3], $0x80, v3, vm0, $0xb8;
	[tilespmem:$0x1B100] =	vst v63  }
0x100: {  	_ = 	snop  }
0x101: {  	[tilespmem:s24], [sflag:$0x1] =	stream.indirect_vreg.gather [hbm4b:s5+s3], $0x80, v3, vm0, $0xb8;
	[tilespmem:$0x1B100] =	vst v63  }
0x102: {  	_ = 	snop  }
0x103: {  	[tilespmem:s25], [sflag:$0x1] =	stream.indirect_vreg.gather [hbm4b:s6+s3], $0x80, v3, vm0, $0xb8;
	[tilespmem:$0x1B100] =	vst v63  }
0x104: {  	v3 =	vld [tilespmem:$0xB0];
	_ =	sdelay $0x4  }
0x105: {  	v59 =	vshrl.u32 v3, $0x3  }
0x106: {  	v4 =	vmul.u32 $0x30, v59  }
0x107: {  	v3 =	vand.u32 $0x7, v3  }
0x108: {  	v3 =	vor.u32 v3, v4  }
0x109: {  	v4 =	vperm.xlane v3, v0;
	_ =	sdelay $0x1  }
0x10a: {  	v4 =	vadd.s32 v1, v4;
	_ =	sdelay $0x3  }
0x10b: {  	v3 =	vperm.xlane v3, v2  }
0x10c: {  	[tilespmem:s4], [sflag:$0x1] =	stream.indirect_vreg.gather [hbm4b:s1+s3], $0x80, v4, vm0, $0xb8;
	[tilespmem:$0x1B100] =	vst v63  }
0x10d: {  	v3 =	vadd.s32 v1, v3  }
0x10e: {  	[tilespmem:s26], [sflag:$0x1] =	stream.indirect_vreg.gather [hbm4b:s5+s3], $0x80, v4, vm0, $0xb8;
	[tilespmem:$0x1B100] =	vst v63  }
0x10f: {  	_ = 	snop  }
0x110: {  	[tilespmem:s29], [sflag:$0x1] =	stream.indirect_vreg.gather [hbm4b:s6+s3], $0x80, v4, vm0, $0xb8;
	[tilespmem:$0x1B100] =	vst v63  }
0x111: {  	s13 =	simm.s32 $0x7900  }
0x112: {  	[tilespmem:s13], [sflag:$0x1] =	stream.indirect_vreg.gather [hbm4b:s1+s3], $0x80, v3, vm0, $0xb8;
	[tilespmem:$0x1B100] =	vst v63  }
0x113: {  	s11 =	simm.s32 $0x8100  }
0x114: {  	[tilespmem:s11], [sflag:$0x1] =	stream.indirect_vreg.gather [hbm4b:s5+s3], $0x80, v3, vm0, $0xb8;
	[tilespmem:$0x1B100] =	vst v63  }
0x115: {  	_ = 	snop  }
0x116: {  	[tilespmem:s23], [sflag:$0x1] =	stream.indirect_vreg.gather [hbm4b:s6+s3], $0x80, v3, vm0, $0xb8;
	[tilespmem:$0x1B100] =	vst v63  }
0x117: {  	_ =	swait.ge [sflag:s2], $0x9000  }
0x118: {  	[sflag:s2] =	ssyncset.done $0x0  }
0x119: {  	s12 =	rddreg [dreg:$0x6];
	[sflag:s2] =	ssyncadd.s32 $0xFFFF7000  }
0x11a: {  	[hbm4b:s12+s3] =	stream.linear.scatter [tilespmem:s8], [sflag:$0x6], $0x9000, $0x38;
	[tilespmem:$0x1B100] =	vst v63  }
0x11b: {  	_ =	swait.ge [sflag:s0], $0x9000  }
0x11c: {  	[sflag:s0] =	ssyncset.done $0x0  }
0x11d: {  	[sflag:s0] =	ssyncadd.s32 $0xFFFF7000  }
0x11e: {  	v3 =	vld [tilespmem:$0xC0];
	_ =	sdelay $0x4  }
0x11f: {  	v60 =	vshrl.u32 v3, $0x3  }
0x120: {  	v4 =	vmul.u32 $0x30, v60  }
0x121: {  	v3 =	vand.u32 $0x7, v3  }
0x122: {  	v3 =	vor.u32 v3, v4  }
0x123: {  	v4 =	vperm.xlane v3, v0;
	_ =	sdelay $0x1  }
0x124: {  	v4 =	vadd.s32 v1, v4;
	_ =	sdelay $0x3  }
0x125: {  	v3 =	vperm.xlane v3, v2  }
0x126: {  	[tilespmem:s22], [sflag:$0x2] =	stream.indirect_vreg.gather [hbm4b:s1+s3], $0x80, v4, vm0, $0xb8;
	[tilespmem:$0x1B100] =	vst v63  }
0x127: {  	s13 =	simm.s32 $0x9900;
	v3 =	vadd.s32 v1, v3  }
0x128: {  	[tilespmem:s13], [sflag:$0x2] =	stream.indirect_vreg.gather [hbm4b:s5+s3], $0x80, v4, vm0, $0xb8;
	[tilespmem:$0x1B100] =	vst v63  }
0x129: {  	s11 =	simm.s32 $0xA100  }
0x12a: {  	[tilespmem:s11], [sflag:$0x2] =	stream.indirect_vreg.gather [hbm4b:s6+s3], $0x80, v4, vm0, $0xb8;
	[tilespmem:$0x1B100] =	vst v63  }
0x12b: {  	s12 =	simm.s32 $0xA900  }
0x12c: {  	[tilespmem:s12], [sflag:$0x2] =	stream.indirect_vreg.gather [hbm4b:s1+s3], $0x80, v3, vm0, $0xb8;
	[tilespmem:$0x1B100] =	vst v63  }
0x12d: {  	s13 =	simm.s32 $0xB100  }
0x12e: {  	[tilespmem:s13], [sflag:$0x2] =	stream.indirect_vreg.gather [hbm4b:s5+s3], $0x80, v3, vm0, $0xb8;
	[tilespmem:$0x1B100] =	vst v63  }
0x12f: {  	s11 =	simm.s32 $0xB900  }
0x130: {  	[tilespmem:s11], [sflag:$0x2] =	stream.indirect_vreg.gather [hbm4b:s6+s3], $0x80, v3, vm0, $0xb8;
	[tilespmem:$0x1B100] =	vst v63  }
0x131: {  	v3 =	vld [tilespmem:$0xD0];
	_ =	sdelay $0x4  }
0x132: {  	v61 =	vshrl.u32 v3, $0x3  }
0x133: {  	v4 =	vmul.u32 $0x30, v61  }
0x134: {  	v3 =	vand.u32 $0x7, v3  }
0x135: {  	v3 =	vor.u32 v3, v4  }
0x136: {  	v4 =	vperm.xlane v3, v0;
	_ =	sdelay $0x1  }
0x137: {  	v4 =	vadd.s32 v1, v4;
	_ =	sdelay $0x3  }
0x138: {  	s12 =	simm.s32 $0xC100;
	v3 =	vperm.xlane v3, v2  }
0x139: {  	[tilespmem:s12], [sflag:$0x2] =	stream.indirect_vreg.gather [hbm4b:s1+s3], $0x80, v4, vm0, $0xb8;
	[tilespmem:$0x1B100] =	vst v63  }
0x13a: {  	s13 =	simm.s32 $0xC900;
	v3 =	vadd.s32 v1, v3  }
0x13b: {  	[tilespmem:s13], [sflag:$0x2] =	stream.indirect_vreg.gather [hbm4b:s5+s3], $0x80, v4, vm0, $0xb8;
	[tilespmem:$0x1B100] =	vst v63  }
0x13c: {  	s11 =	simm.s32 $0xD100  }
0x13d: {  	[tilespmem:s11], [sflag:$0x2] =	stream.indirect_vreg.gather [hbm4b:s6+s3], $0x80, v4, vm0, $0xb8;
	[tilespmem:$0x1B100] =	vst v63  }
0x13e: {  	s12 =	simm.s32 $0xD900  }
0x13f: {  	[tilespmem:s12], [sflag:$0x2] =	stream.indirect_vreg.gather [hbm4b:s1+s3], $0x80, v3, vm0, $0xb8;
	[tilespmem:$0x1B100] =	vst v63  }
0x140: {  	s13 =	simm.s32 $0xE100  }
0x141: {  	[tilespmem:s13], [sflag:$0x2] =	stream.indirect_vreg.gather [hbm4b:s5+s3], $0x80, v3, vm0, $0xb8;
	[tilespmem:$0x1B100] =	vst v63  }
0x142: {  	s11 =	simm.s32 $0xE900  }
0x143: {  	[tilespmem:s11], [sflag:$0x2] =	stream.indirect_vreg.gather [hbm4b:s6+s3], $0x80, v3, vm0, $0xb8;
	[tilespmem:$0x1B100] =	vst v63  }
0x144: {  	v3 =	vld [tilespmem:$0xE0];
	_ =	sdelay $0x4  }
0x145: {  	v62 =	vshrl.u32 v3, $0x3  }
0x146: {  	v4 =	vmul.u32 $0x30, v62  }
0x147: {  	v3 =	vand.u32 $0x7, v3  }
0x148: {  	v3 =	vor.u32 v3, v4  }
0x149: {  	v4 =	vperm.xlane v3, v0;
	_ =	sdelay $0x1  }
0x14a: {  	v4 =	vadd.s32 v1, v4;
	_ =	sdelay $0x3  }
0x14b: {  	s12 =	simm.s32 $0xF100;
	v3 =	vperm.xlane v3, v2  }
0x14c: {  	[tilespmem:s12], [sflag:$0x2] =	stream.indirect_vreg.gather [hbm4b:s1+s3], $0x80, v4, vm0, $0xb8;
	[tilespmem:$0x1B100] =	vst v63  }
0x14d: {  	s13 =	simm.s32 $0xF900;
	v3 =	vadd.s32 v1, v3  }
0x14e: {  	[tilespmem:s13], [sflag:$0x2] =	stream.indirect_vreg.gather [hbm4b:s5+s3], $0x80, v4, vm0, $0xb8;
	[tilespmem:$0x1B100] =	vst v63  }
0x14f: {  	s11 =	simm.s32 $0x10100  }
0x150: {  	[tilespmem:s11], [sflag:$0x2] =	stream.indirect_vreg.gather [hbm4b:s6+s3], $0x80, v4, vm0, $0xb8;
	[tilespmem:$0x1B100] =	vst v63  }
0x151: {  	s12 =	simm.s32 $0x10900  }
0x152: {  	[tilespmem:s12], [sflag:$0x2] =	stream.indirect_vreg.gather [hbm4b:s1+s3], $0x80, v3, vm0, $0xb8;
	[tilespmem:$0x1B100] =	vst v63  }
0x153: {  	s13 =	simm.s32 $0x11100  }
0x154: {  	[tilespmem:s13], [sflag:$0x2] =	stream.indirect_vreg.gather [hbm4b:s5+s3], $0x80, v3, vm0, $0xb8;
	[tilespmem:$0x1B100] =	vst v63  }
0x155: {  	s11 =	simm.s32 $0x11900  }
0x156: {  	[tilespmem:s11], [sflag:$0x2] =	stream.indirect_vreg.gather [hbm4b:s6+s3], $0x80, v3, vm0, $0xb8;
	[tilespmem:$0x1B100] =	vst v63  }
0x157: {  	_ =	swait.ge [sflag:s9], $0x9000  }
0x158: {  	[sflag:s9] =	ssyncset.done $0x0  }
0x159: {  	s12 =	rddreg [dreg:$0x7];
	[sflag:s9] =	ssyncadd.s32 $0xFFFF7000  }
0x15a: {  	[hbm4b:s12+s3] =	stream.linear.scatter [tilespmem:s28], [sflag:$0x4], $0x9000, $0x38;
	[tilespmem:$0x1B100] =	vst v63  }
0x15b: {  	_ =	swait.ge [sflag:s10], $0x9000  }
0x15c: {  	[sflag:s10] =	ssyncset.done $0x0  }
0x15d: {  	[sflag:s10] =	ssyncadd.s32 $0xFFFF7000  }
0x15e: {  	v3 =	vld [tilespmem:$0xF0];
	_ =	sdelay $0x4  }
0x15f: {  	v63 =	vshrl.u32 v3, $0x3  }
0x160: {  	v4 =	vmul.u32 $0x30, v63  }
0x161: {  	v3 =	vand.u32 $0x7, v3  }
0x162: {  	v3 =	vor.u32 v3, v4  }
0x163: {  	v4 =	vperm.xlane v3, v0;
	_ =	sdelay $0x1  }
0x164: {  	v4 =	vadd.s32 v1, v4;
	_ =	sdelay $0x3  }
0x165: {  	v3 =	vperm.xlane v3, v2  }
0x166: {  	[tilespmem:s8], [sflag:$0x3] =	stream.indirect_vreg.gather [hbm4b:s1+s3], $0x80, v4, vm0, $0xb8;
	[tilespmem:$0x1B100] =	vst v63  }
0x167: {  	s13 =	simm.s32 $0x12900;
	v3 =	vadd.s32 v1, v3  }
0x168: {  	[tilespmem:s13], [sflag:$0x3] =	stream.indirect_vreg.gather [hbm4b:s5+s3], $0x80, v4, vm0, $0xb8;
	[tilespmem:$0x1B100] =	vst v63  }
0x169: {  	s11 =	simm.s32 $0x13100  }
0x16a: {  	[tilespmem:s11], [sflag:$0x3] =	stream.indirect_vreg.gather [hbm4b:s6+s3], $0x80, v4, vm0, $0xb8;
	[tilespmem:$0x1B100] =	vst v63  }
0x16b: {  	s12 =	simm.s32 $0x13900  }
0x16c: {  	[tilespmem:s12], [sflag:$0x3] =	stream.indirect_vreg.gather [hbm4b:s1+s3], $0x80, v3, vm0, $0xb8;
	[tilespmem:$0x1B100] =	vst v63  }
0x16d: {  	s13 =	simm.s32 $0x14100  }
0x16e: {  	[tilespmem:s13], [sflag:$0x3] =	stream.indirect_vreg.gather [hbm4b:s5+s3], $0x80, v3, vm0, $0xb8;
	[tilespmem:$0x1B100] =	vst v63  }
0x16f: {  	s11 =	simm.s32 $0x14900  }
0x170: {  	[tilespmem:s11], [sflag:$0x3] =	stream.indirect_vreg.gather [hbm4b:s6+s3], $0x80, v3, vm0, $0xb8;
	[tilespmem:$0x1B100] =	vst v63  }
0x171: {  	_ =	swait.ge [sflag:s30], $0x9000  }
0x172: {  	[sflag:s30] =	ssyncset.done $0x0  }
0x173: {  	s12 =	rddreg [dreg:$0x8];
	[sflag:s30] =	ssyncadd.s32 $0xFFFF7000  }
0x174: {  	[hbm4b:s12+s3] =	stream.linear.scatter [tilespmem:s22], [sflag:$0x5], $0x9000, $0x38;
	[tilespmem:$0x1B100] =	vst v63  }
0x175: {  	_ =	swait.ge [sflag:s2], $0x3000  }
0x176: {  	[sflag:s2] =	ssyncset.done $0x0  }
0x177: {  	s13 =	rddreg [dreg:$0x9];
	[sflag:s2] =	ssyncadd.s32 $0xFFFFD000  }
0x178: {  	[hbm4b:s13+s3] =	stream.linear.scatter [tilespmem:s8], [sflag:$0x6], $0x3000, $0x38;
	[tilespmem:$0x1B100] =	vst v63  }
0x179: {  	_ =	swait.ge [sflag:s31], $0x9000  }
0x17a: {  	[sflag:s31] =	ssyncset.done $0x0  }
0x17b: {  	[sflag:s31] =	ssyncadd.s32 $0xFFFF7000  }
0x17c: {  	p0 =	sne.s32 s7, $0x1;
	_ =	swait.ge [sflag:s0], $0x9000  }
.Ltmp0:
0x17d: {  	[sflag:s0] =	ssyncset.done $0x0;
	(pc) =	sbr.rel @p0 .LBB2_1-.Ltmp0, $4  }
0x17e: {  	[sflag:s0] =	ssyncadd.s32 $0xFFFF7000  }
0x17f: {  	_ =	swait.ge [sflag:s10], $0x3000  }
0x180: {  	[sflag:s10] =	ssyncset.done $0x0  }
0x181: {  	s7 =	sadd.s32 $0xFFFFFFFF, s7;
	[sflag:s10] =	ssyncadd.s32 $0xFFFFD000  }
0x182: {  	_ =	sfence.sel $0x180000  }
0x183: {  	[bflag:$0x0] =	sbarrier.arrive $0xFFFF  }
0x184: {  	_ =	strace $0x90000047  }
0x185: {  	s0 =	stileid.u32;
	[bflag:$0x2] =	sbarrier.arrive $0xFFFF  }
0x186: {  	p0 =	sne.s32 s0, $0x0;
	s0 =	rddreg [dreg:$0x3]  }
0x187: {  	s0 =	sadd.s32 @!p0 $0x100000, s0  }
0x188: {  	[sflag:s0] =	ssyncadd.tile.s32 @!p0 $0x1;
	_ =	shalt  }
.Lfunc_end2:
_tile_overlayer_lowered:
.L_overlay_start_2:
0x189: {  	(tag) =	ssettag $0x2  }
0x18a: {  	s0 =	rddreg [dreg:$0x0];
	s2 =	stileid.u32  }
0x18b: {  	s1 =	rddreg [dreg:$0x1];
	p0 =	sne.s32 s2, $0x0  }
0x18c: {  	s3 =	rddreg [dreg:$0x2];
	[bflag:$0x3] =	sbarrier.arrive $0xFFFF;
	s2 =	simm.s32 @!p0 $0x1C07  }
0x18d: {  	[timem:s3], [sflag:s2] =	dma.local @!p0 [hbm:s0], s1  }
0x18e: {  	s0 =	simm.s32 @!p0 $0x7  }
0x18f: {  	_ =	swait.ge @!p0 [sflag:s0], s1  }
0x190: {  	s1 =	ssub.s32 @!p0 $0x0, s1;
	[sflag:s0] =	ssyncset.done @!p0 $0x0  }
0x191: {  	[sflag:s0] =	ssyncadd.s32 @!p0 s1  }
0x192: {  	[bflag:$0x3] =	sbarrier.arrive $0xFFFF  }
0x193: {  	_ =	shalt  }

</sc_bundles>
